<compile_context>
chip_gen: v7x
topology: tpu7x:2x2x1
jax: 0.10.2.dev20260603
libtpu: 0.0.44.dev20260713+nightly
codegen_flags: <defaults>
</compile_context>

<pallas_src>
import functools

import jax
import jax.numpy as jnp
from jax import lax
from jax.experimental import pallas as pl
from jax.experimental.pallas import tpu as pltpu
from jax.experimental.pallas import tpu_sc as plsc

_N = 10000
_E = 160000
_NTILE = 16
_LANES = 16
_EROWS = _E // 128
_ROWS = 80
_FULL_TILES = _EROWS // _ROWS
_TAIL_ROWS = _EROWS - _FULL_TILES * _ROWS
_NP = 10240
_SLICE = _NP // _NTILE
_TRASH = _NP - 1
_ROUNDS = 4


def _rsqrt16(x):
    i = lax.bitcast_convert_type(x, jnp.int32)
    i = jnp.int32(0x5F3759DF) - lax.shift_right_arithmetic(i, 1)
    y = lax.bitcast_convert_type(i, jnp.float32)
    for _ in range(3):
        y = y * (1.5 - 0.5 * x * y * y)
    return y


def _sc_body(ei_hbm, out_hbm, src_v, dst_v, w_v, vals_v, ubuf_v, slice_v,
             a_sh, b_sh, sem):
    s = lax.axis_index("s")
    c = lax.axis_index("c")
    base = s * _SLICE

    trash16 = jnp.full((_LANES,), _TRASH, jnp.int32)
    nrows = jnp.where(s == _FULL_TILES, _TAIL_ROWS, _ROWS)
    eoff = s * (_ROWS * 128)

    def _stage_row(j, _):
        pltpu.async_copy(ei_hbm.at[0, pl.ds(eoff + j * 128, 128)],
                         src_v.at[j], sem)
        pltpu.async_copy(ei_hbm.at[1, pl.ds(eoff + j * 128, 128)],
                         dst_v.at[j], sem)
        return _

    def _stage_drain(j, _):
        pltpu.make_async_copy(ei_hbm.at[0, pl.ds(eoff + j * 128, 128)],
                              src_v.at[j], sem).wait()
        pltpu.make_async_copy(ei_hbm.at[1, pl.ds(eoff + j * 128, 128)],
                              dst_v.at[j], sem).wait()
        return _

    def _fill_trash(j, _):
        for k in range(8):
            src_v[j, pl.ds(k * _LANES, _LANES)] = trash16
            dst_v[j, pl.ds(k * _LANES, _LANES)] = trash16
        return _

    lax.fori_loop(0, nrows, _stage_row, None)
    lax.fori_loop(nrows, _ROWS, _fill_trash, None)

    zero16 = jnp.zeros((_LANES,), jnp.float32)
    one16 = jnp.full((_LANES,), 1.0, jnp.float32)

    def _zero_slice(i, _):
        slice_v[pl.ds(i * _LANES, _LANES)] = zero16
        return _

    def _drain_sweep(dst_sh):
        pltpu.make_async_copy(ubuf_v, dst_sh, sem).wait()

    lax.fori_loop(0, _SLICE // _LANES, _zero_slice, None)
    pltpu.sync_copy(slice_v, a_sh.at[pl.ds(base, _SLICE)])
    for k in range(8):
        vals_v[0, pl.ds(k * _LANES, _LANES)] = one16
    lax.fori_loop(0, nrows, _stage_drain, None)
    plsc.subcore_barrier()

    def _deg_row(j, _):
        pltpu.async_copy(vals_v.at[0], a_sh.at[dst_v.at[j]], sem, add=True)
        return _

    lax.fori_loop(0, _ROWS, _deg_row, None)
    _drain_sweep(a_sh)
    plsc.subcore_barrier()

    pltpu.sync_copy(a_sh.at[pl.ds(base, _SLICE)], slice_v)

    def _norm_step(i, _):
        d = slice_v[pl.ds(i * _LANES, _LANES)]
        slice_v[pl.ds(i * _LANES, _LANES)] = _rsqrt16(jnp.maximum(d, 1.0))
        return _

    lax.fori_loop(0, _SLICE // _LANES, _norm_step, None)
    pltpu.sync_copy(slice_v, b_sh.at[pl.ds(base, _SLICE)])
    plsc.subcore_barrier()

    pltpu.sync_copy(b_sh, ubuf_v)
    plsc.subcore_barrier()
    lax.fori_loop(0, _SLICE // _LANES, _zero_slice, None)
    pltpu.sync_copy(slice_v, b_sh.at[pl.ds(base, _SLICE)])
    plsc.subcore_barrier()

    inv_n = jnp.float32(1.0 / _N)

    def _w_row(j, _):
        for k in range(8):
            sl = pl.ds(k * _LANES, _LANES)
            ns = plsc.load_gather(ubuf_v, [src_v[j, sl]])
            nd = plsc.load_gather(ubuf_v, [dst_v[j, sl]])
            w = ns * nd
            w_v[j, sl] = w
            vals_v[j, sl] = w * inv_n
        pltpu.async_copy(vals_v.at[j], b_sh.at[src_v.at[j]], sem, add=True)
        return _

    lax.fori_loop(0, _ROWS, _w_row, None)
    _drain_sweep(b_sh)
    plsc.subcore_barrier()

    for r in range(1, _ROUNDS):
        rd, wr = (b_sh, a_sh) if r % 2 == 1 else (a_sh, b_sh)
        pltpu.sync_copy(rd, ubuf_v)
        lax.fori_loop(0, _SLICE // _LANES, _zero_slice, None)
        pltpu.sync_copy(slice_v, wr.at[pl.ds(base, _SLICE)])
        plsc.subcore_barrier()

        def _mp_row(j, _):
            for k in range(8):
                sl = pl.ds(k * _LANES, _LANES)
                uv = plsc.load_gather(ubuf_v, [dst_v[j, sl]])
                vals_v[j, sl] = uv * w_v[j, sl]
            pltpu.async_copy(vals_v.at[j], wr.at[src_v.at[j]], sem, add=True)
            return _

        lax.fori_loop(0, _ROWS, _mp_row, None)
        _drain_sweep(wr)
        plsc.subcore_barrier()

    pltpu.sync_copy(a_sh.at[pl.ds(base, _SLICE)], slice_v)

    @pl.when(c == 0)
    def _():
        pltpu.sync_copy(slice_v, out_hbm.at[0, pl.ds(base, _SLICE)])


_sc_u = functools.partial(
    pl.kernel,
    out_type=jax.ShapeDtypeStruct((1, _NP), jnp.float32),
    mesh=plsc.VectorSubcoreMesh(core_axis_name="c", subcore_axis_name="s"),
    compiler_params=pltpu.CompilerParams(needs_layout_passes=False),
    scratch_types=[
        pltpu.VMEM((_ROWS, 128), jnp.int32),
        pltpu.VMEM((_ROWS, 128), jnp.int32),
        pltpu.VMEM((_ROWS, 128), jnp.float32),
        pltpu.VMEM((_ROWS, 128), jnp.float32),
        pltpu.VMEM((_NP,), jnp.float32),
        pltpu.VMEM((_SLICE,), jnp.float32),
        pltpu.VMEM_SHARED((_NP,), jnp.float32),
        pltpu.VMEM_SHARED((_NP,), jnp.float32),
        pltpu.SemaphoreType.DMA,
    ],
)(_sc_body)


def _tc_body(u_ref, feat_ref, wemb_ref, bemb_ref, w1_ref, b1_ref, w2_ref,
             b2_ref, wr_ref, br_ref, out_ref):
    u = u_ref[...]
    dn = (((1,), (1,)), ((), ()))
    hi = lax.Precision.DEFAULT
    v1 = lax.dot_general(u, feat_ref[...], (((1,), (0,)), ((), ())),
                         preferred_element_type=jnp.float32, precision=hi)
    su = jnp.sum(u)
    hg = lax.dot_general(v1, wemb_ref[...], dn,
                         preferred_element_type=jnp.float32,
                         precision=hi) + su * bemb_ref[...].reshape(1, -1)
    hg = lax.dot_general(hg, w1_ref[...], dn,
                         preferred_element_type=jnp.float32,
                         precision=hi) + b1_ref[...].reshape(1, -1)
    hg = lax.dot_general(hg, w2_ref[...], dn,
                         preferred_element_type=jnp.float32,
                         precision=hi) + b2_ref[...].reshape(1, -1)
    out_ref[...] = lax.dot_general(hg, wr_ref[...], dn,
                                   preferred_element_type=jnp.float32,
                                   precision=hi) + br_ref[...].reshape(1, -1)


def kernel(feat, edge_index, e, snorm_n, snorm_e, W_emb, b_emb, W1, b1, W2,
           b2, Wr, br):
    u = _sc_u(edge_index)[:, :_N]
    nc = Wr.shape[0]
    out = pl.pallas_call(
        _tc_body,
        out_shape=jax.ShapeDtypeStruct((1, nc), jnp.float32),
    )(u, feat, W_emb, b_emb, W1, b1, W2, b2, Wr, br)
    return out

# --- scband reference (transcript-rebuilt; emitter-appended) ---
"""Pipeline reference for scband-expander-simple-gcn-44744969290326 (READ-ONLY COPY).

The authoritative reference and input builder live on the scoring server;
editing this copy changes nothing except your own understanding.
"""

import jax, jax.numpy as jnp
import numpy as np

N = 10000
E = 160000
IN_DIM = 256
HID = 512
OUT = 512
NC = 10
L = 4


def setup_inputs(seed: int = 0) -> dict:
    key = jax.random.key(seed)
    ks = jax.random.split(key, 13)
    feat = jax.random.normal(ks[0], (N, IN_DIM), dtype=jnp.float32)
    edge_index = jax.random.randint(ks[1], (2, E), 0, N, dtype=jnp.int32)
    e = jax.random.normal(ks[2], (E, 16), dtype=jnp.float32)
    snorm_n = jax.random.uniform(ks[3], (N, 1), dtype=jnp.float32)
    snorm_e = jax.random.uniform(ks[4], (E, 1), dtype=jnp.float32)
    # Learned parameters (sparsity=1.0 -> expander masks are all-ones, i.e. dense linears)
    W_emb = jax.random.normal(ks[5], (HID, IN_DIM), dtype=jnp.float32) / np.sqrt(IN_DIM)
    b_emb = jnp.zeros((HID,), dtype=jnp.float32)
    W1 = jax.random.normal(ks[6], (HID, HID), dtype=jnp.float32) / np.sqrt(HID)
    b1 = jnp.zeros((HID,), dtype=jnp.float32)
    W2 = jax.random.normal(ks[7], (OUT, HID), dtype=jnp.float32) / np.sqrt(HID)
    b2 = jnp.zeros((OUT,), dtype=jnp.float32)
    Wr = jax.random.normal(ks[8], (NC, OUT), dtype=jnp.float32) / np.sqrt(OUT)
    br = jnp.zeros((NC,), dtype=jnp.float32)
    return {"feat": feat, "edge_index": edge_index, "e": e, "snorm_n": snorm_n,
            "snorm_e": snorm_e, "W_emb": W_emb, "b_emb": b_emb, "W1": W1, "b1": b1,
            "W2": W2, "b2": b2, "Wr": Wr, "br": br}


def reference(feat, edge_index, e, snorm_n, snorm_e, W_emb, b_emb, W1, b1, W2, b2, Wr, br):
    # e, snorm_n, snorm_e are accepted by forward() but unused in its body
    src = edge_index[0]
    dst = edge_index[1]
    n_nodes = feat.shape[0]
    n_edges = src.shape[0]
    # embedding_h (ExpanderLinearLayer with sparsity=1.0 == dense linear)
    h = feat @ W_emb.T + b_emb
    # in_feat_dropout with p=0.0 -> identity
    # symmetric GCN normalization from in-degrees
    deg = jax.ops.segment_sum(jnp.ones((n_edges,), dtype=jnp.float32), dst, num_segments=n_nodes)
    deg = jnp.clip(deg, 1.0, None)
    norm = jnp.power(deg, -0.5)[:, None]
    # L rounds of copy_u -> sum message passing
    for _ in range(L):
        h = h * norm
        h = jax.ops.segment_sum(h[src], dst, num_segments=n_nodes)
        h = h * norm
    # ExpanderMultiLinearLayer: 2 linear layers, no activation, no batchnorm
    h = h @ W1.T + b1
    h = h @ W2.T + b2
    # self.readout is a module (nn.Linear), so string comparisons fail -> dgl.mean_nodes
    hg = jnp.mean(h, axis=0, keepdims=True)
    return hg @ Wr.T + br

if __name__ == "__main__":
    import jax
    _d = setup_inputs()
    print(jax.jit(kernel)(*tuple(_d.values())))

</pallas_src>

<mosaic_0001>
#map = affine_map<(d0, d1) -> (0, 0)>
module attributes {stable_mosaic.version = 14 : i64} {
  func.func @_sc_body(%arg0: i32, %arg1: i32, %arg2: memref<2x160000xi32, #tpu.memory_space<hbm>>, %arg3: memref<1x10240xf32, #tpu.memory_space<hbm>>, %arg4: memref<80x128xi32, #tpu.memory_space<vmem>>, %arg5: memref<80x128xi32, #tpu.memory_space<vmem>>, %arg6: memref<80x128xf32, #tpu.memory_space<vmem>>, %arg7: memref<80x128xf32, #tpu.memory_space<vmem>>, %arg8: memref<10240xf32, #tpu.memory_space<vmem>>, %arg9: memref<640xf32, #tpu.memory_space<vmem>>, %arg10: memref<10240xf32, #tpu.memory_space<vmem_shared>>, %arg11: memref<10240xf32, #tpu.memory_space<vmem_shared>>, %arg12: memref<!tpu.dma_semaphore, #tpu.memory_space<semaphore_mem>>) attributes {dimension_semantics = [#tpu.dimension_semantics<core_parallel>, #tpu.dimension_semantics<subcore_parallel>], iteration_bounds = array<i64: 2, 16>, scalar_prefetch = 0 : i64, scratch_operands = 9 : i64, tpu.core_type = #tpu.core_type<sc_vector_subcore>, window_params = [{transform_indices = #map}, {transform_indices = #map}]} {
    %mul3A = arith.constant 640 : i32
    %mul3A_0 = arith.muli %arg1, %mul3A : i32
    %broadcast_in_dim3A = arith.constant 10239 : i32
    %broadcast_in_dim3A_1 = vector.broadcast %broadcast_in_dim3A : i32 to vector<16xi32>
    %eq3A = arith.constant 15 : i32
    %eq3A_2 = arith.cmpi eq, %arg1, %eq3A : i32
    %jit3A = arith.constant 50 : i32
    %jit3A_3 = arith.constant 80 : i32
    %select_n3A = arith.select %eq3A_2, %jit3A, %jit3A_3 : i32
    %mul3A_4 = arith.constant 10240 : i32
    %mul3A_5 = arith.muli %arg1, %mul3A_4 : i32
    %while3A = arith.constant 0 : i32
    %while3A_6 = arith.subi %select_n3A, %while3A : i32
    %while3A_7 = arith.addi %while3A, %while3A_6 : i32
    %while3A_8 = arith.constant 1 : i32
    %while3A_9 = arith.divsi %while3A_6, %while3A_8 : i32
    %while3A_10 = arith.muli %while3A_9, %while3A_8 : i32
    %while3A_11 = arith.addi %while3A, %while3A_10 : i32
    %while3A_12 = arith.constant 1 : i32
    scf.for %while3A_136 = %while3A to %while3A_11 step %while3A_12  : i32 {
      %mul3A_137 = arith.constant 128 : i32
      %mul3A_138 = arith.muli %while3A_136, %mul3A_137 : i32
      %add3A = arith.addi %mul3A_5, %mul3A_138 : i32
      %dma_start3A = arith.constant 0 : i32
      %dma_start3A_139 = arith.constant 0 : i32
      %dma_start3A_140 = tpu.memref_slice %arg4[%while3A_136, %dma_start3A_139] : memref<80x128xi32, #tpu.memory_space<vmem>> -> memref<1x128xi32, #tpu.memory_space<vmem>>
      %dma_start3A_141 = tpu.memref_squeeze %dma_start3A_140 : memref<1x128xi32, #tpu.memory_space<vmem>> -> memref<128xi32, #tpu.memory_space<vmem>>
      %dma_start3A_142 = tpu.memref_slice %arg2[%dma_start3A, %add3A] : memref<2x160000xi32, #tpu.memory_space<hbm>> -> memref<1x128xi32, #tpu.memory_space<hbm>>
      %dma_start3A_143 = tpu.memref_squeeze %dma_start3A_142 : memref<1x128xi32, #tpu.memory_space<hbm>> -> memref<128xi32, #tpu.memory_space<hbm>>
      %dma_start3A_144 = arith.constant 0 : i32
      %dma_start3A_145 = tpu.memref_slice %arg4[%while3A_136, %dma_start3A_144] : memref<80x128xi32, #tpu.memory_space<vmem>> -> memref<1x128xi32, #tpu.memory_space<vmem>>
      %dma_start3A_146 = tpu.memref_squeeze %dma_start3A_145 : memref<1x128xi32, #tpu.memory_space<vmem>> -> memref<128xi32, #tpu.memory_space<vmem>>
      %dma_start3A_147 = tpu.memref_slice %arg2[%dma_start3A, %add3A] : memref<2x160000xi32, #tpu.memory_space<hbm>> -> memref<1x128xi32, #tpu.memory_space<hbm>>
      %dma_start3A_148 = tpu.memref_squeeze %dma_start3A_147 : memref<1x128xi32, #tpu.memory_space<hbm>> -> memref<128xi32, #tpu.memory_space<hbm>>
      tpu.enqueue_dma source(%dma_start3A_148 : memref<128xi32, #tpu.memory_space<hbm>>) target(%dma_start3A_146 : memref<128xi32, #tpu.memory_space<vmem>>) target_semaphore(%arg12 : memref<!tpu.dma_semaphore, #tpu.memory_space<semaphore_mem>>)
      %mul3A_149 = arith.constant 128 : i32
      %mul3A_150 = arith.muli %while3A_136, %mul3A_149 : i32
      %add3A_151 = arith.addi %mul3A_5, %mul3A_150 : i32
      %dma_start3A_152 = arith.constant 1 : i32
      %dma_start3A_153 = arith.constant 0 : i32
      %dma_start3A_154 = tpu.memref_slice %arg5[%while3A_136, %dma_start3A_153] : memref<80x128xi32, #tpu.memory_space<vmem>> -> memref<1x128xi32, #tpu.memory_space<vmem>>
      %dma_start3A_155 = tpu.memref_squeeze %dma_start3A_154 : memref<1x128xi32, #tpu.memory_space<vmem>> -> memref<128xi32, #tpu.memory_space<vmem>>
      %dma_start3A_156 = tpu.memref_slice %arg2[%dma_start3A_152, %add3A_151] : memref<2x160000xi32, #tpu.memory_space<hbm>> -> memref<1x128xi32, #tpu.memory_space<hbm>>
      %dma_start3A_157 = tpu.memref_squeeze %dma_start3A_156 : memref<1x128xi32, #tpu.memory_space<hbm>> -> memref<128xi32, #tpu.memory_space<hbm>>
      %dma_start3A_158 = arith.constant 0 : i32
      %dma_start3A_159 = tpu.memref_slice %arg5[%while3A_136, %dma_start3A_158] : memref<80x128xi32, #tpu.memory_space<vmem>> -> memref<1x128xi32, #tpu.memory_space<vmem>>
      %dma_start3A_160 = tpu.memref_squeeze %dma_start3A_159 : memref<1x128xi32, #tpu.memory_space<vmem>> -> memref<128xi32, #tpu.memory_space<vmem>>
      %dma_start3A_161 = tpu.memref_slice %arg2[%dma_start3A_152, %add3A_151] : memref<2x160000xi32, #tpu.memory_space<hbm>> -> memref<1x128xi32, #tpu.memory_space<hbm>>
      %dma_start3A_162 = tpu.memref_squeeze %dma_start3A_161 : memref<1x128xi32, #tpu.memory_space<hbm>> -> memref<128xi32, #tpu.memory_space<hbm>>
      tpu.enqueue_dma source(%dma_start3A_162 : memref<128xi32, #tpu.memory_space<hbm>>) target(%dma_start3A_160 : memref<128xi32, #tpu.memory_space<vmem>>) target_semaphore(%arg12 : memref<!tpu.dma_semaphore, #tpu.memory_space<semaphore_mem>>)
    }
    %while3A_13 = arith.constant 1 : i32
    scf.for %while3A_136 = %while3A_11 to %while3A_7 step %while3A_13  : i32 {
      %mul3A_137 = arith.constant 128 : i32
      %mul3A_138 = arith.muli %while3A_136, %mul3A_137 : i32
      %add3A = arith.addi %mul3A_5, %mul3A_138 : i32
      %dma_start3A = arith.constant 0 : i32
      %dma_start3A_139 = arith.constant 0 : i32
      %dma_start3A_140 = tpu.memref_slice %arg4[%while3A_136, %dma_start3A_139] : memref<80x128xi32, #tpu.memory_space<vmem>> -> memref<1x128xi32, #tpu.memory_space<vmem>>
      %dma_start3A_141 = tpu.memref_squeeze %dma_start3A_140 : memref<1x128xi32, #tpu.memory_space<vmem>> -> memref<128xi32, #tpu.memory_space<vmem>>
      %dma_start3A_142 = tpu.memref_slice %arg2[%dma_start3A, %add3A] : memref<2x160000xi32, #tpu.memory_space<hbm>> -> memref<1x128xi32, #tpu.memory_space<hbm>>
      %dma_start3A_143 = tpu.memref_squeeze %dma_start3A_142 : memref<1x128xi32, #tpu.memory_space<hbm>> -> memref<128xi32, #tpu.memory_space<hbm>>
      %dma_start3A_144 = arith.constant 0 : i32
      %dma_start3A_145 = tpu.memref_slice %arg4[%while3A_136, %dma_start3A_144] : memref<80x128xi32, #tpu.memory_space<vmem>> -> memref<1x128xi32, #tpu.memory_space<vmem>>
      %dma_start3A_146 = tpu.memref_squeeze %dma_start3A_145 : memref<1x128xi32, #tpu.memory_space<vmem>> -> memref<128xi32, #tpu.memory_space<vmem>>
      %dma_start3A_147 = tpu.memref_slice %arg2[%dma_start3A, %add3A] : memref<2x160000xi32, #tpu.memory_space<hbm>> -> memref<1x128xi32, #tpu.memory_space<hbm>>
      %dma_start3A_148 = tpu.memref_squeeze %dma_start3A_147 : memref<1x128xi32, #tpu.memory_space<hbm>> -> memref<128xi32, #tpu.memory_space<hbm>>
      tpu.enqueue_dma source(%dma_start3A_148 : memref<128xi32, #tpu.memory_space<hbm>>) target(%dma_start3A_146 : memref<128xi32, #tpu.memory_space<vmem>>) target_semaphore(%arg12 : memref<!tpu.dma_semaphore, #tpu.memory_space<semaphore_mem>>)
      %mul3A_149 = arith.constant 128 : i32
      %mul3A_150 = arith.muli %while3A_136, %mul3A_149 : i32
      %add3A_151 = arith.addi %mul3A_5, %mul3A_150 : i32
      %dma_start3A_152 = arith.constant 1 : i32
      %dma_start3A_153 = arith.constant 0 : i32
      %dma_start3A_154 = tpu.memref_slice %arg5[%while3A_136, %dma_start3A_153] : memref<80x128xi32, #tpu.memory_space<vmem>> -> memref<1x128xi32, #tpu.memory_space<vmem>>
      %dma_start3A_155 = tpu.memref_squeeze %dma_start3A_154 : memref<1x128xi32, #tpu.memory_space<vmem>> -> memref<128xi32, #tpu.memory_space<vmem>>
      %dma_start3A_156 = tpu.memref_slice %arg2[%dma_start3A_152, %add3A_151] : memref<2x160000xi32, #tpu.memory_space<hbm>> -> memref<1x128xi32, #tpu.memory_space<hbm>>
      %dma_start3A_157 = tpu.memref_squeeze %dma_start3A_156 : memref<1x128xi32, #tpu.memory_space<hbm>> -> memref<128xi32, #tpu.memory_space<hbm>>
      %dma_start3A_158 = arith.constant 0 : i32
      %dma_start3A_159 = tpu.memref_slice %arg5[%while3A_136, %dma_start3A_158] : memref<80x128xi32, #tpu.memory_space<vmem>> -> memref<1x128xi32, #tpu.memory_space<vmem>>
      %dma_start3A_160 = tpu.memref_squeeze %dma_start3A_159 : memref<1x128xi32, #tpu.memory_space<vmem>> -> memref<128xi32, #tpu.memory_space<vmem>>
      %dma_start3A_161 = tpu.memref_slice %arg2[%dma_start3A_152, %add3A_151] : memref<2x160000xi32, #tpu.memory_space<hbm>> -> memref<1x128xi32, #tpu.memory_space<hbm>>
      %dma_start3A_162 = tpu.memref_squeeze %dma_start3A_161 : memref<1x128xi32, #tpu.memory_space<hbm>> -> memref<128xi32, #tpu.memory_space<hbm>>
      tpu.enqueue_dma source(%dma_start3A_162 : memref<128xi32, #tpu.memory_space<hbm>>) target(%dma_start3A_160 : memref<128xi32, #tpu.memory_space<vmem>>) target_semaphore(%arg12 : memref<!tpu.dma_semaphore, #tpu.memory_space<semaphore_mem>>)
    }
    %while3A_14 = arith.constant 80 : i32
    %while3A_15 = arith.subi %while3A_14, %select_n3A : i32
    %while3A_16 = arith.addi %select_n3A, %while3A_15 : i32
    %while3A_17 = arith.constant 1 : i32
    %while3A_18 = arith.divsi %while3A_15, %while3A_17 : i32
    %while3A_19 = arith.muli %while3A_18, %while3A_17 : i32
    %while3A_20 = arith.addi %select_n3A, %while3A_19 : i32
    %while3A_21 = arith.constant 1 : i32
    scf.for %while3A_136 = %select_n3A to %while3A_20 step %while3A_21  : i32 {
      %swap3A_137 = arith.index_cast %while3A_136 : i32 to index
      %swap3A_138 = arith.constant 0 : index
      %swap3A_139 = tpu.vector_load %arg4[%swap3A_137, %swap3A_138] {strides = array<i32>} : memref<80x128xi32, #tpu.memory_space<vmem>>, vector<16xi32>,
      tpu.vector_store %arg4[%swap3A_137, %swap3A_138], %broadcast_in_dim3A_1 {strides = array<i32>} : memref<80x128xi32, #tpu.memory_space<vmem>>, vector<16xi32>,
      %swap3A_140 = arith.index_cast %while3A_136 : i32 to index
      %swap3A_141 = arith.constant 0 : index
      %swap3A_142 = tpu.vector_load %arg5[%swap3A_140, %swap3A_141] {strides = array<i32>} : memref<80x128xi32, #tpu.memory_space<vmem>>, vector<16xi32>,
      tpu.vector_store %arg5[%swap3A_140, %swap3A_141], %broadcast_in_dim3A_1 {strides = array<i32>} : memref<80x128xi32, #tpu.memory_space<vmem>>, vector<16xi32>,
      %swap3A_143 = arith.index_cast %while3A_136 : i32 to index
      %swap3A_144 = arith.constant 16 : index
      %swap3A_145 = tpu.vector_load %arg4[%swap3A_143, %swap3A_144] {strides = array<i32>} : memref<80x128xi32, #tpu.memory_space<vmem>>, vector<16xi32>,
      tpu.vector_store %arg4[%swap3A_143, %swap3A_144], %broadcast_in_dim3A_1 {strides = array<i32>} : memref<80x128xi32, #tpu.memory_space<vmem>>, vector<16xi32>,
      %swap3A_146 = arith.index_cast %while3A_136 : i32 to index
      %swap3A_147 = arith.constant 16 : index
      %swap3A_148 = tpu.vector_load %arg5[%swap3A_146, %swap3A_147] {strides = array<i32>} : memref<80x128xi32, #tpu.memory_space<vmem>>, vector<16xi32>,
      tpu.vector_store %arg5[%swap3A_146, %swap3A_147], %broadcast_in_dim3A_1 {strides = array<i32>} : memref<80x128xi32, #tpu.memory_space<vmem>>, vector<16xi32>,
      %swap3A_149 = arith.index_cast %while3A_136 : i32 to index
      %swap3A_150 = arith.constant 32 : index
      %swap3A_151 = tpu.vector_load %arg4[%swap3A_149, %swap3A_150] {strides = array<i32>} : memref<80x128xi32, #tpu.memory_space<vmem>>, vector<16xi32>,
      tpu.vector_store %arg4[%swap3A_149, %swap3A_150], %broadcast_in_dim3A_1 {strides = array<i32>} : memref<80x128xi32, #tpu.memory_space<vmem>>, vector<16xi32>,
      %swap3A_152 = arith.index_cast %while3A_136 : i32 to index
      %swap3A_153 = arith.constant 32 : index
      %swap3A_154 = tpu.vector_load %arg5[%swap3A_152, %swap3A_153] {strides = array<i32>} : memref<80x128xi32, #tpu.memory_space<vmem>>, vector<16xi32>,
      tpu.vector_store %arg5[%swap3A_152, %swap3A_153], %broadcast_in_dim3A_1 {strides = array<i32>} : memref<80x128xi32, #tpu.memory_space<vmem>>, vector<16xi32>,
      %swap3A_155 = arith.index_cast %while3A_136 : i32 to index
      %swap3A_156 = arith.constant 48 : index
      %swap3A_157 = tpu.vector_load %arg4[%swap3A_155, %swap3A_156] {strides = array<i32>} : memref<80x128xi32, #tpu.memory_space<vmem>>, vector<16xi32>,
      tpu.vector_store %arg4[%swap3A_155, %swap3A_156], %broadcast_in_dim3A_1 {strides = array<i32>} : memref<80x128xi32, #tpu.memory_space<vmem>>, vector<16xi32>,
      %swap3A_158 = arith.index_cast %while3A_136 : i32 to index
      %swap3A_159 = arith.constant 48 : index
      %swap3A_160 = tpu.vector_load %arg5[%swap3A_158, %swap3A_159] {strides = array<i32>} : memref<80x128xi32, #tpu.memory_space<vmem>>, vector<16xi32>,
      tpu.vector_store %arg5[%swap3A_158, %swap3A_159], %broadcast_in_dim3A_1 {strides = array<i32>} : memref<80x128xi32, #tpu.memory_space<vmem>>, vector<16xi32>,
      %swap3A_161 = arith.index_cast %while3A_136 : i32 to index
      %swap3A_162 = arith.constant 64 : index
      %swap3A_163 = tpu.vector_load %arg4[%swap3A_161, %swap3A_162] {strides = array<i32>} : memref<80x128xi32, #tpu.memory_space<vmem>>, vector<16xi32>,
      tpu.vector_store %arg4[%swap3A_161, %swap3A_162], %broadcast_in_dim3A_1 {strides = array<i32>} : memref<80x128xi32, #tpu.memory_space<vmem>>, vector<16xi32>,
      %swap3A_164 = arith.index_cast %while3A_136 : i32 to index
      %swap3A_165 = arith.constant 64 : index
      %swap3A_166 = tpu.vector_load %arg5[%swap3A_164, %swap3A_165] {strides = array<i32>} : memref<80x128xi32, #tpu.memory_space<vmem>>, vector<16xi32>,
      tpu.vector_store %arg5[%swap3A_164, %swap3A_165], %broadcast_in_dim3A_1 {strides = array<i32>} : memref<80x128xi32, #tpu.memory_space<vmem>>, vector<16xi32>,
      %swap3A_167 = arith.index_cast %while3A_136 : i32 to index
      %swap3A_168 = arith.constant 80 : index
      %swap3A_169 = tpu.vector_load %arg4[%swap3A_167, %swap3A_168] {strides = array<i32>} : memref<80x128xi32, #tpu.memory_space<vmem>>, vector<16xi32>,
      tpu.vector_store %arg4[%swap3A_167, %swap3A_168], %broadcast_in_dim3A_1 {strides = array<i32>} : memref<80x128xi32, #tpu.memory_space<vmem>>, vector<16xi32>,
      %swap3A_170 = arith.index_cast %while3A_136 : i32 to index
      %swap3A_171 = arith.constant 80 : index
      %swap3A_172 = tpu.vector_load %arg5[%swap3A_170, %swap3A_171] {strides = array<i32>} : memref<80x128xi32, #tpu.memory_space<vmem>>, vector<16xi32>,
      tpu.vector_store %arg5[%swap3A_170, %swap3A_171], %broadcast_in_dim3A_1 {strides = array<i32>} : memref<80x128xi32, #tpu.memory_space<vmem>>, vector<16xi32>,
      %swap3A_173 = arith.index_cast %while3A_136 : i32 to index
      %swap3A_174 = arith.constant 96 : index
      %swap3A_175 = tpu.vector_load %arg4[%swap3A_173, %swap3A_174] {strides = array<i32>} : memref<80x128xi32, #tpu.memory_space<vmem>>, vector<16xi32>,
      tpu.vector_store %arg4[%swap3A_173, %swap3A_174], %broadcast_in_dim3A_1 {strides = array<i32>} : memref<80x128xi32, #tpu.memory_space<vmem>>, vector<16xi32>,
      %swap3A_176 = arith.index_cast %while3A_136 : i32 to index
      %swap3A_177 = arith.constant 96 : index
      %swap3A_178 = tpu.vector_load %arg5[%swap3A_176, %swap3A_177] {strides = array<i32>} : memref<80x128xi32, #tpu.memory_space<vmem>>, vector<16xi32>,
      tpu.vector_store %arg5[%swap3A_176, %swap3A_177], %broadcast_in_dim3A_1 {strides = array<i32>} : memref<80x128xi32, #tpu.memory_space<vmem>>, vector<16xi32>,
      %swap3A_179 = arith.index_cast %while3A_136 : i32 to index
      %swap3A_180 = arith.constant 112 : index
      %swap3A_181 = tpu.vector_load %arg4[%swap3A_179, %swap3A_180] {strides = array<i32>} : memref<80x128xi32, #tpu.memory_space<vmem>>, vector<16xi32>,
      tpu.vector_store %arg4[%swap3A_179, %swap3A_180], %broadcast_in_dim3A_1 {strides = array<i32>} : memref<80x128xi32, #tpu.memory_space<vmem>>, vector<16xi32>,
      %swap3A_182 = arith.index_cast %while3A_136 : i32 to index
      %swap3A_183 = arith.constant 112 : index
      %swap3A_184 = tpu.vector_load %arg5[%swap3A_182, %swap3A_183] {strides = array<i32>} : memref<80x128xi32, #tpu.memory_space<vmem>>, vector<16xi32>,
      tpu.vector_store %arg5[%swap3A_182, %swap3A_183], %broadcast_in_dim3A_1 {strides = array<i32>} : memref<80x128xi32, #tpu.memory_space<vmem>>, vector<16xi32>,
    }
    %while3A_22 = arith.constant 1 : i32
    scf.for %while3A_136 = %while3A_20 to %while3A_16 step %while3A_22  : i32 {
      %swap3A_137 = arith.index_cast %while3A_136 : i32 to index
      %swap3A_138 = arith.constant 0 : index
      %swap3A_139 = tpu.vector_load %arg4[%swap3A_137, %swap3A_138] {strides = array<i32>} : memref<80x128xi32, #tpu.memory_space<vmem>>, vector<16xi32>,
      tpu.vector_store %arg4[%swap3A_137, %swap3A_138], %broadcast_in_dim3A_1 {strides = array<i32>} : memref<80x128xi32, #tpu.memory_space<vmem>>, vector<16xi32>,
      %swap3A_140 = arith.index_cast %while3A_136 : i32 to index
      %swap3A_141 = arith.constant 0 : index
      %swap3A_142 = tpu.vector_load %arg5[%swap3A_140, %swap3A_141] {strides = array<i32>} : memref<80x128xi32, #tpu.memory_space<vmem>>, vector<16xi32>,
      tpu.vector_store %arg5[%swap3A_140, %swap3A_141], %broadcast_in_dim3A_1 {strides = array<i32>} : memref<80x128xi32, #tpu.memory_space<vmem>>, vector<16xi32>,
      %swap3A_143 = arith.index_cast %while3A_136 : i32 to index
      %swap3A_144 = arith.constant 16 : index
      %swap3A_145 = tpu.vector_load %arg4[%swap3A_143, %swap3A_144] {strides = array<i32>} : memref<80x128xi32, #tpu.memory_space<vmem>>, vector<16xi32>,
      tpu.vector_store %arg4[%swap3A_143, %swap3A_144], %broadcast_in_dim3A_1 {strides = array<i32>} : memref<80x128xi32, #tpu.memory_space<vmem>>, vector<16xi32>,
      %swap3A_146 = arith.index_cast %while3A_136 : i32 to index
      %swap3A_147 = arith.constant 16 : index
      %swap3A_148 = tpu.vector_load %arg5[%swap3A_146, %swap3A_147] {strides = array<i32>} : memref<80x128xi32, #tpu.memory_space<vmem>>, vector<16xi32>,
      tpu.vector_store %arg5[%swap3A_146, %swap3A_147], %broadcast_in_dim3A_1 {strides = array<i32>} : memref<80x128xi32, #tpu.memory_space<vmem>>, vector<16xi32>,
      %swap3A_149 = arith.index_cast %while3A_136 : i32 to index
      %swap3A_150 = arith.constant 32 : index
      %swap3A_151 = tpu.vector_load %arg4[%swap3A_149, %swap3A_150] {strides = array<i32>} : memref<80x128xi32, #tpu.memory_space<vmem>>, vector<16xi32>,
      tpu.vector_store %arg4[%swap3A_149, %swap3A_150], %broadcast_in_dim3A_1 {strides = array<i32>} : memref<80x128xi32, #tpu.memory_space<vmem>>, vector<16xi32>,
      %swap3A_152 = arith.index_cast %while3A_136 : i32 to index
      %swap3A_153 = arith.constant 32 : index
      %swap3A_154 = tpu.vector_load %arg5[%swap3A_152, %swap3A_153] {strides = array<i32>} : memref<80x128xi32, #tpu.memory_space<vmem>>, vector<16xi32>,
      tpu.vector_store %arg5[%swap3A_152, %swap3A_153], %broadcast_in_dim3A_1 {strides = array<i32>} : memref<80x128xi32, #tpu.memory_space<vmem>>, vector<16xi32>,
      %swap3A_155 = arith.index_cast %while3A_136 : i32 to index
      %swap3A_156 = arith.constant 48 : index
      %swap3A_157 = tpu.vector_load %arg4[%swap3A_155, %swap3A_156] {strides = array<i32>} : memref<80x128xi32, #tpu.memory_space<vmem>>, vector<16xi32>,
      tpu.vector_store %arg4[%swap3A_155, %swap3A_156], %broadcast_in_dim3A_1 {strides = array<i32>} : memref<80x128xi32, #tpu.memory_space<vmem>>, vector<16xi32>,
      %swap3A_158 = arith.index_cast %while3A_136 : i32 to index
      %swap3A_159 = arith.constant 48 : index
      %swap3A_160 = tpu.vector_load %arg5[%swap3A_158, %swap3A_159] {strides = array<i32>} : memref<80x128xi32, #tpu.memory_space<vmem>>, vector<16xi32>,
      tpu.vector_store %arg5[%swap3A_158, %swap3A_159], %broadcast_in_dim3A_1 {strides = array<i32>} : memref<80x128xi32, #tpu.memory_space<vmem>>, vector<16xi32>,
      %swap3A_161 = arith.index_cast %while3A_136 : i32 to index
      %swap3A_162 = arith.constant 64 : index
      %swap3A_163 = tpu.vector_load %arg4[%swap3A_161, %swap3A_162] {strides = array<i32>} : memref<80x128xi32, #tpu.memory_space<vmem>>, vector<16xi32>,
      tpu.vector_store %arg4[%swap3A_161, %swap3A_162], %broadcast_in_dim3A_1 {strides = array<i32>} : memref<80x128xi32, #tpu.memory_space<vmem>>, vector<16xi32>,
      %swap3A_164 = arith.index_cast %while3A_136 : i32 to index
      %swap3A_165 = arith.constant 64 : index
      %swap3A_166 = tpu.vector_load %arg5[%swap3A_164, %swap3A_165] {strides = array<i32>} : memref<80x128xi32, #tpu.memory_space<vmem>>, vector<16xi32>,
      tpu.vector_store %arg5[%swap3A_164, %swap3A_165], %broadcast_in_dim3A_1 {strides = array<i32>} : memref<80x128xi32, #tpu.memory_space<vmem>>, vector<16xi32>,
      %swap3A_167 = arith.index_cast %while3A_136 : i32 to index
      %swap3A_168 = arith.constant 80 : index
      %swap3A_169 = tpu.vector_load %arg4[%swap3A_167, %swap3A_168] {strides = array<i32>} : memref<80x128xi32, #tpu.memory_space<vmem>>, vector<16xi32>,
      tpu.vector_store %arg4[%swap3A_167, %swap3A_168], %broadcast_in_dim3A_1 {strides = array<i32>} : memref<80x128xi32, #tpu.memory_space<vmem>>, vector<16xi32>,
      %swap3A_170 = arith.index_cast %while3A_136 : i32 to index
      %swap3A_171 = arith.constant 80 : index
      %swap3A_172 = tpu.vector_load %arg5[%swap3A_170, %swap3A_171] {strides = array<i32>} : memref<80x128xi32, #tpu.memory_space<vmem>>, vector<16xi32>,
      tpu.vector_store %arg5[%swap3A_170, %swap3A_171], %broadcast_in_dim3A_1 {strides = array<i32>} : memref<80x128xi32, #tpu.memory_space<vmem>>, vector<16xi32>,
      %swap3A_173 = arith.index_cast %while3A_136 : i32 to index
      %swap3A_174 = arith.constant 96 : index
      %swap3A_175 = tpu.vector_load %arg4[%swap3A_173, %swap3A_174] {strides = array<i32>} : memref<80x128xi32, #tpu.memory_space<vmem>>, vector<16xi32>,
      tpu.vector_store %arg4[%swap3A_173, %swap3A_174], %broadcast_in_dim3A_1 {strides = array<i32>} : memref<80x128xi32, #tpu.memory_space<vmem>>, vector<16xi32>,
      %swap3A_176 = arith.index_cast %while3A_136 : i32 to index
      %swap3A_177 = arith.constant 96 : index
      %swap3A_178 = tpu.vector_load %arg5[%swap3A_176, %swap3A_177] {strides = array<i32>} : memref<80x128xi32, #tpu.memory_space<vmem>>, vector<16xi32>,
      tpu.vector_store %arg5[%swap3A_176, %swap3A_177], %broadcast_in_dim3A_1 {strides = array<i32>} : memref<80x128xi32, #tpu.memory_space<vmem>>, vector<16xi32>,
      %swap3A_179 = arith.index_cast %while3A_136 : i32 to index
      %swap3A_180 = arith.constant 112 : index
      %swap3A_181 = tpu.vector_load %arg4[%swap3A_179, %swap3A_180] {strides = array<i32>} : memref<80x128xi32, #tpu.memory_space<vmem>>, vector<16xi32>,
      tpu.vector_store %arg4[%swap3A_179, %swap3A_180], %broadcast_in_dim3A_1 {strides = array<i32>} : memref<80x128xi32, #tpu.memory_space<vmem>>, vector<16xi32>,
      %swap3A_182 = arith.index_cast %while3A_136 : i32 to index
      %swap3A_183 = arith.constant 112 : index
      %swap3A_184 = tpu.vector_load %arg5[%swap3A_182, %swap3A_183] {strides = array<i32>} : memref<80x128xi32, #tpu.memory_space<vmem>>, vector<16xi32>,
      tpu.vector_store %arg5[%swap3A_182, %swap3A_183], %broadcast_in_dim3A_1 {strides = array<i32>} : memref<80x128xi32, #tpu.memory_space<vmem>>, vector<16xi32>,
    }
    %broadcast_in_dim3A_23 = arith.constant 0.000000e+00 : f32
    %broadcast_in_dim3A_24 = vector.broadcast %broadcast_in_dim3A_23 : f32 to vector<16xf32>
    %broadcast_in_dim3A_25 = arith.constant 1.000000e+00 : f32
    %broadcast_in_dim3A_26 = vector.broadcast %broadcast_in_dim3A_25 : f32 to vector<16xf32>
    %scan3A = arith.constant 0 : i32
    %scan3A_27 = arith.constant 40 : i32
    %scan3A_28 = arith.addi %scan3A, %scan3A_27 : i32
    %scan3A_29 = arith.constant 1 : i32
    scf.for %scan3A_136 = %scan3A to %scan3A_28 step %scan3A_29  : i32 {
      %mul3A_137 = arith.constant 16 : i32
      %mul3A_138 = arith.muli %scan3A_136, %mul3A_137 : i32
      %swap3A_139 = arith.index_cast %mul3A_138 : i32 to index
      %swap3A_140 = tpu.vector_load %arg9[%swap3A_139] {strides = array<i32>} : memref<640xf32, #tpu.memory_space<vmem>>, vector<16xf32>,
      tpu.vector_store %arg9[%swap3A_139], %broadcast_in_dim3A_24 {strides = array<i32>} : memref<640xf32, #tpu.memory_space<vmem>>, vector<16xf32>,
    }
    %scan3A_30 = arith.constant 40 : i32
    "tpu.region"() ({
      %run_scoped3A = tpu.sem_alloc : memref<!tpu.dma_semaphore, #tpu.memory_space<semaphore_mem>>
      %dma_start3A = tpu.memref_slice %arg10[%mul3A_0] : memref<10240xf32, #tpu.memory_space<vmem_shared>> -> memref<640xf32, #tpu.memory_space<vmem_shared>>
      %dma_start3A_136 = tpu.memref_slice %arg10[%mul3A_0] : memref<10240xf32, #tpu.memory_space<vmem_shared>> -> memref<640xf32, #tpu.memory_space<vmem_shared>>
      tpu.enqueue_dma source(%arg9 : memref<640xf32, #tpu.memory_space<vmem>>) target(%dma_start3A_136 : memref<640xf32, #tpu.memory_space<vmem_shared>>) target_semaphore(%run_scoped3A : memref<!tpu.dma_semaphore, #tpu.memory_space<semaphore_mem>>)
      %dma_wait3A = tpu.memref_slice %arg10[%mul3A_0] : memref<10240xf32, #tpu.memory_space<vmem_shared>> -> memref<640xf32, #tpu.memory_space<vmem_shared>>
      %dma_wait3A_137 = tpu.memref_slice %arg10[%mul3A_0] : memref<10240xf32, #tpu.memory_space<vmem_shared>> -> memref<640xf32, #tpu.memory_space<vmem_shared>>
      tpu.wait_dma2 semaphore(%run_scoped3A : memref<!tpu.dma_semaphore, #tpu.memory_space<semaphore_mem>>) src(%arg9 : memref<640xf32, #tpu.memory_space<vmem>>) dst(%dma_wait3A_137 : memref<640xf32, #tpu.memory_space<vmem_shared>>)
      tpu.yield
    }) : () -> ()
    %swap3A = arith.constant 0 : i32
    %swap3A_31 = arith.index_cast %swap3A : i32 to index
    %swap3A_32 = arith.constant 0 : index
    %swap3A_33 = tpu.vector_load %arg7[%swap3A_31, %swap3A_32] {strides = array<i32>} : memref<80x128xf32, #tpu.memory_space<vmem>>, vector<16xf32>,
    tpu.vector_store %arg7[%swap3A_31, %swap3A_32], %broadcast_in_dim3A_26 {strides = array<i32>} : memref<80x128xf32, #tpu.memory_space<vmem>>, vector<16xf32>,
    %swap3A_34 = arith.constant 0 : i32
    %swap3A_35 = arith.index_cast %swap3A_34 : i32 to index
    %swap3A_36 = arith.constant 16 : index
    %swap3A_37 = tpu.vector_load %arg7[%swap3A_35, %swap3A_36] {strides = array<i32>} : memref<80x128xf32, #tpu.memory_space<vmem>>, vector<16xf32>,
    tpu.vector_store %arg7[%swap3A_35, %swap3A_36], %broadcast_in_dim3A_26 {strides = array<i32>} : memref<80x128xf32, #tpu.memory_space<vmem>>, vector<16xf32>,
    %swap3A_38 = arith.constant 0 : i32
    %swap3A_39 = arith.index_cast %swap3A_38 : i32 to index
    %swap3A_40 = arith.constant 32 : index
    %swap3A_41 = tpu.vector_load %arg7[%swap3A_39, %swap3A_40] {strides = array<i32>} : memref<80x128xf32, #tpu.memory_space<vmem>>, vector<16xf32>,
    tpu.vector_store %arg7[%swap3A_39, %swap3A_40], %broadcast_in_dim3A_26 {strides = array<i32>} : memref<80x128xf32, #tpu.memory_space<vmem>>, vector<16xf32>,
    %swap3A_42 = arith.constant 0 : i32
    %swap3A_43 = arith.index_cast %swap3A_42 : i32 to index
    %swap3A_44 = arith.constant 48 : index
    %swap3A_45 = tpu.vector_load %arg7[%swap3A_43, %swap3A_44] {strides = array<i32>} : memref<80x128xf32, #tpu.memory_space<vmem>>, vector<16xf32>,
    tpu.vector_store %arg7[%swap3A_43, %swap3A_44], %broadcast_in_dim3A_26 {strides = array<i32>} : memref<80x128xf32, #tpu.memory_space<vmem>>, vector<16xf32>,
    %swap3A_46 = arith.constant 0 : i32
    %swap3A_47 = arith.index_cast %swap3A_46 : i32 to index
    %swap3A_48 = arith.constant 64 : index
    %swap3A_49 = tpu.vector_load %arg7[%swap3A_47, %swap3A_48] {strides = array<i32>} : memref<80x128xf32, #tpu.memory_space<vmem>>, vector<16xf32>,
    tpu.vector_store %arg7[%swap3A_47, %swap3A_48], %broadcast_in_dim3A_26 {strides = array<i32>} : memref<80x128xf32, #tpu.memory_space<vmem>>, vector<16xf32>,
    %swap3A_50 = arith.constant 0 : i32
    %swap3A_51 = arith.index_cast %swap3A_50 : i32 to index
    %swap3A_52 = arith.constant 80 : index
    %swap3A_53 = tpu.vector_load %arg7[%swap3A_51, %swap3A_52] {strides = array<i32>} : memref<80x128xf32, #tpu.memory_space<vmem>>, vector<16xf32>,
    tpu.vector_store %arg7[%swap3A_51, %swap3A_52], %broadcast_in_dim3A_26 {strides = array<i32>} : memref<80x128xf32, #tpu.memory_space<vmem>>, vector<16xf32>,
    %swap3A_54 = arith.constant 0 : i32
    %swap3A_55 = arith.index_cast %swap3A_54 : i32 to index
    %swap3A_56 = arith.constant 96 : index
    %swap3A_57 = tpu.vector_load %arg7[%swap3A_55, %swap3A_56] {strides = array<i32>} : memref<80x128xf32, #tpu.memory_space<vmem>>, vector<16xf32>,
    tpu.vector_store %arg7[%swap3A_55, %swap3A_56], %broadcast_in_dim3A_26 {strides = array<i32>} : memref<80x128xf32, #tpu.memory_space<vmem>>, vector<16xf32>,
    %swap3A_58 = arith.constant 0 : i32
    %swap3A_59 = arith.index_cast %swap3A_58 : i32 to index
    %swap3A_60 = arith.constant 112 : index
    %swap3A_61 = tpu.vector_load %arg7[%swap3A_59, %swap3A_60] {strides = array<i32>} : memref<80x128xf32, #tpu.memory_space<vmem>>, vector<16xf32>,
    tpu.vector_store %arg7[%swap3A_59, %swap3A_60], %broadcast_in_dim3A_26 {strides = array<i32>} : memref<80x128xf32, #tpu.memory_space<vmem>>, vector<16xf32>,
    %while3A_62 = arith.constant 0 : i32
    %while3A_63 = arith.subi %select_n3A, %while3A_62 : i32
    %while3A_64 = arith.addi %while3A_62, %while3A_63 : i32
    %while3A_65 = arith.constant 1 : i32
    %while3A_66 = arith.divsi %while3A_63, %while3A_65 : i32
    %while3A_67 = arith.muli %while3A_66, %while3A_65 : i32
    %while3A_68 = arith.addi %while3A_62, %while3A_67 : i32
    %while3A_69 = arith.constant 1 : i32
    scf.for %while3A_136 = %while3A_62 to %while3A_68 step %while3A_69  : i32 {
      %mul3A_137 = arith.constant 128 : i32
      %mul3A_138 = arith.muli %while3A_136, %mul3A_137 : i32
      %add3A = arith.addi %mul3A_5, %mul3A_138 : i32
      %dma_wait3A = arith.constant 0 : i32
      %dma_wait3A_139 = arith.constant 0 : i32
      %dma_wait3A_140 = tpu.memref_slice %arg4[%while3A_136, %dma_wait3A_139] : memref<80x128xi32, #tpu.memory_space<vmem>> -> memref<1x128xi32, #tpu.memory_space<vmem>>
      %dma_wait3A_141 = tpu.memref_squeeze %dma_wait3A_140 : memref<1x128xi32, #tpu.memory_space<vmem>> -> memref<128xi32, #tpu.memory_space<vmem>>
      %dma_wait3A_142 = tpu.memref_slice %arg2[%dma_wait3A, %add3A] : memref<2x160000xi32, #tpu.memory_space<hbm>> -> memref<1x128xi32, #tpu.memory_space<hbm>>
      %dma_wait3A_143 = tpu.memref_squeeze %dma_wait3A_142 : memref<1x128xi32, #tpu.memory_space<hbm>> -> memref<128xi32, #tpu.memory_space<hbm>>
      %dma_wait3A_144 = arith.constant 0 : i32
      %dma_wait3A_145 = tpu.memref_slice %arg4[%while3A_136, %dma_wait3A_144] : memref<80x128xi32, #tpu.memory_space<vmem>> -> memref<1x128xi32, #tpu.memory_space<vmem>>
      %dma_wait3A_146 = tpu.memref_squeeze %dma_wait3A_145 : memref<1x128xi32, #tpu.memory_space<vmem>> -> memref<128xi32, #tpu.memory_space<vmem>>
      %dma_wait3A_147 = tpu.memref_slice %arg2[%dma_wait3A, %add3A] : memref<2x160000xi32, #tpu.memory_space<hbm>> -> memref<1x128xi32, #tpu.memory_space<hbm>>
      %dma_wait3A_148 = tpu.memref_squeeze %dma_wait3A_147 : memref<1x128xi32, #tpu.memory_space<hbm>> -> memref<128xi32, #tpu.memory_space<hbm>>
      tpu.wait_dma2 semaphore(%arg12 : memref<!tpu.dma_semaphore, #tpu.memory_space<semaphore_mem>>) src(%dma_wait3A_148 : memref<128xi32, #tpu.memory_space<hbm>>) dst(%dma_wait3A_146 : memref<128xi32, #tpu.memory_space<vmem>>)
      %mul3A_149 = arith.constant 128 : i32
      %mul3A_150 = arith.muli %while3A_136, %mul3A_149 : i32
      %add3A_151 = arith.addi %mul3A_5, %mul3A_150 : i32
      %dma_wait3A_152 = arith.constant 1 : i32
      %dma_wait3A_153 = arith.constant 0 : i32
      %dma_wait3A_154 = tpu.memref_slice %arg5[%while3A_136, %dma_wait3A_153] : memref<80x128xi32, #tpu.memory_space<vmem>> -> memref<1x128xi32, #tpu.memory_space<vmem>>
      %dma_wait3A_155 = tpu.memref_squeeze %dma_wait3A_154 : memref<1x128xi32, #tpu.memory_space<vmem>> -> memref<128xi32, #tpu.memory_space<vmem>>
      %dma_wait3A_156 = tpu.memref_slice %arg2[%dma_wait3A_152, %add3A_151] : memref<2x160000xi32, #tpu.memory_space<hbm>> -> memref<1x128xi32, #tpu.memory_space<hbm>>
      %dma_wait3A_157 = tpu.memref_squeeze %dma_wait3A_156 : memref<1x128xi32, #tpu.memory_space<hbm>> -> memref<128xi32, #tpu.memory_space<hbm>>
      %dma_wait3A_158 = arith.constant 0 : i32
      %dma_wait3A_159 = tpu.memref_slice %arg5[%while3A_136, %dma_wait3A_158] : memref<80x128xi32, #tpu.memory_space<vmem>> -> memref<1x128xi32, #tpu.memory_space<vmem>>
      %dma_wait3A_160 = tpu.memref_squeeze %dma_wait3A_159 : memref<1x128xi32, #tpu.memory_space<vmem>> -> memref<128xi32, #tpu.memory_space<vmem>>
      %dma_wait3A_161 = tpu.memref_slice %arg2[%dma_wait3A_152, %add3A_151] : memref<2x160000xi32, #tpu.memory_space<hbm>> -> memref<1x128xi32, #tpu.memory_space<hbm>>
      %dma_wait3A_162 = tpu.memref_squeeze %dma_wait3A_161 : memref<1x128xi32, #tpu.memory_space<hbm>> -> memref<128xi32, #tpu.memory_space<hbm>>
      tpu.wait_dma2 semaphore(%arg12 : memref<!tpu.dma_semaphore, #tpu.memory_space<semaphore_mem>>) src(%dma_wait3A_162 : memref<128xi32, #tpu.memory_space<hbm>>) dst(%dma_wait3A_160 : memref<128xi32, #tpu.memory_space<vmem>>)
    }
    %while3A_70 = arith.constant 1 : i32
    scf.for %while3A_136 = %while3A_68 to %while3A_64 step %while3A_70  : i32 {
      %mul3A_137 = arith.constant 128 : i32
      %mul3A_138 = arith.muli %while3A_136, %mul3A_137 : i32
      %add3A = arith.addi %mul3A_5, %mul3A_138 : i32
      %dma_wait3A = arith.constant 0 : i32
      %dma_wait3A_139 = arith.constant 0 : i32
      %dma_wait3A_140 = tpu.memref_slice %arg4[%while3A_136, %dma_wait3A_139] : memref<80x128xi32, #tpu.memory_space<vmem>> -> memref<1x128xi32, #tpu.memory_space<vmem>>
      %dma_wait3A_141 = tpu.memref_squeeze %dma_wait3A_140 : memref<1x128xi32, #tpu.memory_space<vmem>> -> memref<128xi32, #tpu.memory_space<vmem>>
      %dma_wait3A_142 = tpu.memref_slice %arg2[%dma_wait3A, %add3A] : memref<2x160000xi32, #tpu.memory_space<hbm>> -> memref<1x128xi32, #tpu.memory_space<hbm>>
      %dma_wait3A_143 = tpu.memref_squeeze %dma_wait3A_142 : memref<1x128xi32, #tpu.memory_space<hbm>> -> memref<128xi32, #tpu.memory_space<hbm>>
      %dma_wait3A_144 = arith.constant 0 : i32
      %dma_wait3A_145 = tpu.memref_slice %arg4[%while3A_136, %dma_wait3A_144] : memref<80x128xi32, #tpu.memory_space<vmem>> -> memref<1x128xi32, #tpu.memory_space<vmem>>
      %dma_wait3A_146 = tpu.memref_squeeze %dma_wait3A_145 : memref<1x128xi32, #tpu.memory_space<vmem>> -> memref<128xi32, #tpu.memory_space<vmem>>
      %dma_wait3A_147 = tpu.memref_slice %arg2[%dma_wait3A, %add3A] : memref<2x160000xi32, #tpu.memory_space<hbm>> -> memref<1x128xi32, #tpu.memory_space<hbm>>
      %dma_wait3A_148 = tpu.memref_squeeze %dma_wait3A_147 : memref<1x128xi32, #tpu.memory_space<hbm>> -> memref<128xi32, #tpu.memory_space<hbm>>
      tpu.wait_dma2 semaphore(%arg12 : memref<!tpu.dma_semaphore, #tpu.memory_space<semaphore_mem>>) src(%dma_wait3A_148 : memref<128xi32, #tpu.memory_space<hbm>>) dst(%dma_wait3A_146 : memref<128xi32, #tpu.memory_space<vmem>>)
      %mul3A_149 = arith.constant 128 : i32
      %mul3A_150 = arith.muli %while3A_136, %mul3A_149 : i32
      %add3A_151 = arith.addi %mul3A_5, %mul3A_150 : i32
      %dma_wait3A_152 = arith.constant 1 : i32
      %dma_wait3A_153 = arith.constant 0 : i32
      %dma_wait3A_154 = tpu.memref_slice %arg5[%while3A_136, %dma_wait3A_153] : memref<80x128xi32, #tpu.memory_space<vmem>> -> memref<1x128xi32, #tpu.memory_space<vmem>>
      %dma_wait3A_155 = tpu.memref_squeeze %dma_wait3A_154 : memref<1x128xi32, #tpu.memory_space<vmem>> -> memref<128xi32, #tpu.memory_space<vmem>>
      %dma_wait3A_156 = tpu.memref_slice %arg2[%dma_wait3A_152, %add3A_151] : memref<2x160000xi32, #tpu.memory_space<hbm>> -> memref<1x128xi32, #tpu.memory_space<hbm>>
      %dma_wait3A_157 = tpu.memref_squeeze %dma_wait3A_156 : memref<1x128xi32, #tpu.memory_space<hbm>> -> memref<128xi32, #tpu.memory_space<hbm>>
      %dma_wait3A_158 = arith.constant 0 : i32
      %dma_wait3A_159 = tpu.memref_slice %arg5[%while3A_136, %dma_wait3A_158] : memref<80x128xi32, #tpu.memory_space<vmem>> -> memref<1x128xi32, #tpu.memory_space<vmem>>
      %dma_wait3A_160 = tpu.memref_squeeze %dma_wait3A_159 : memref<1x128xi32, #tpu.memory_space<vmem>> -> memref<128xi32, #tpu.memory_space<vmem>>
      %dma_wait3A_161 = tpu.memref_slice %arg2[%dma_wait3A_152, %add3A_151] : memref<2x160000xi32, #tpu.memory_space<hbm>> -> memref<1x128xi32, #tpu.memory_space<hbm>>
      %dma_wait3A_162 = tpu.memref_squeeze %dma_wait3A_161 : memref<1x128xi32, #tpu.memory_space<hbm>> -> memref<128xi32, #tpu.memory_space<hbm>>
      tpu.wait_dma2 semaphore(%arg12 : memref<!tpu.dma_semaphore, #tpu.memory_space<semaphore_mem>>) src(%dma_wait3A_162 : memref<128xi32, #tpu.memory_space<hbm>>) dst(%dma_wait3A_160 : memref<128xi32, #tpu.memory_space<vmem>>)
    }
    %barrier3A = arith.constant 0 : index
    tpu.barrier barrier_id(%barrier3A)
    %scan3A_71 = arith.constant 0 : i32
    %scan3A_72 = arith.constant 80 : i32
    %scan3A_73 = arith.addi %scan3A_71, %scan3A_72 : i32
    %scan3A_74 = arith.constant 1 : i32
    scf.for %scan3A_136 = %scan3A_71 to %scan3A_73 step %scan3A_74  : i32 {
      %dma_start3A = arith.constant 0 : i32
      %dma_start3A_137 = arith.constant 0 : i32
      %dma_start3A_138 = tpu.memref_slice %arg7[%dma_start3A, %dma_start3A_137] : memref<80x128xf32, #tpu.memory_space<vmem>> -> memref<1x128xf32, #tpu.memory_space<vmem>>
      %dma_start3A_139 = tpu.memref_squeeze %dma_start3A_138 : memref<1x128xf32, #tpu.memory_space<vmem>> -> memref<128xf32, #tpu.memory_space<vmem>>
      %dma_start3A_140 = arith.constant 0 : i32
      %dma_start3A_141 = tpu.memref_slice %arg5[%scan3A_136, %dma_start3A_140] : memref<80x128xi32, #tpu.memory_space<vmem>> -> memref<1x128xi32, #tpu.memory_space<vmem>>
      %dma_start3A_142 = tpu.memref_squeeze %dma_start3A_141 : memref<1x128xi32, #tpu.memory_space<vmem>> -> memref<128xi32, #tpu.memory_space<vmem>>
      %dma_start3A_143 = arith.constant 0 : i32
      %dma_start3A_144 = tpu.memref_slice %arg10[%dma_start3A_143] : memref<10240xf32, #tpu.memory_space<vmem_shared>> -> memref<10240xf32, #tpu.memory_space<vmem_shared>>
      tpu.enqueue_indirect_dma source(%dma_start3A_139 : memref<128xf32, #tpu.memory_space<vmem>>) target(%dma_start3A_144 : memref<10240xf32, #tpu.memory_space<vmem_shared>>) offsets(%dma_start3A_142 : memref<128xi32, #tpu.memory_space<vmem>>) semaphore(%arg12 : memref<!tpu.dma_semaphore, #tpu.memory_space<semaphore_mem>>) {add = true}
    }
    %scan3A_75 = arith.constant 80 : i32
    tpu.wait_dma2 semaphore(%arg12 : memref<!tpu.dma_semaphore, #tpu.memory_space<semaphore_mem>>) src(%arg8 : memref<10240xf32, #tpu.memory_space<vmem>>) dst(%arg10 : memref<10240xf32, #tpu.memory_space<vmem_shared>>)
    %barrier3A_76 = arith.constant 0 : index
    tpu.barrier barrier_id(%barrier3A_76)
    "tpu.region"() ({
      %run_scoped3A = tpu.sem_alloc : memref<!tpu.dma_semaphore, #tpu.memory_space<semaphore_mem>>
      %dma_start3A = tpu.memref_slice %arg10[%mul3A_0] : memref<10240xf32, #tpu.memory_space<vmem_shared>> -> memref<640xf32, #tpu.memory_space<vmem_shared>>
      %dma_start3A_136 = tpu.memref_slice %arg10[%mul3A_0] : memref<10240xf32, #tpu.memory_space<vmem_shared>> -> memref<640xf32, #tpu.memory_space<vmem_shared>>
      tpu.enqueue_dma source(%dma_start3A_136 : memref<640xf32, #tpu.memory_space<vmem_shared>>) target(%arg9 : memref<640xf32, #tpu.memory_space<vmem>>) target_semaphore(%run_scoped3A : memref<!tpu.dma_semaphore, #tpu.memory_space<semaphore_mem>>)
      %dma_wait3A = tpu.memref_slice %arg10[%mul3A_0] : memref<10240xf32, #tpu.memory_space<vmem_shared>> -> memref<640xf32, #tpu.memory_space<vmem_shared>>
      %dma_wait3A_137 = tpu.memref_slice %arg10[%mul3A_0] : memref<10240xf32, #tpu.memory_space<vmem_shared>> -> memref<640xf32, #tpu.memory_space<vmem_shared>>
      tpu.wait_dma2 semaphore(%run_scoped3A : memref<!tpu.dma_semaphore, #tpu.memory_space<semaphore_mem>>) src(%dma_wait3A_137 : memref<640xf32, #tpu.memory_space<vmem_shared>>) dst(%arg9 : memref<640xf32, #tpu.memory_space<vmem>>)
      tpu.yield
    }) : () -> ()
    %scan3A_77 = arith.constant 0 : i32
    %scan3A_78 = arith.constant 40 : i32
    %scan3A_79 = arith.addi %scan3A_77, %scan3A_78 : i32
    %scan3A_80 = arith.constant 1 : i32
    scf.for %scan3A_136 = %scan3A_77 to %scan3A_79 step %scan3A_80  : i32 {
      %mul3A_137 = arith.constant 16 : i32
      %mul3A_138 = arith.muli %scan3A_136, %mul3A_137 : i32
      %get3A = arith.index_cast %mul3A_138 : i32 to index
      %get3A_139 = tpu.vector_load %arg9[%get3A] {strides = array<i32>} : memref<640xf32, #tpu.memory_space<vmem>>, vector<16xf32>,
      %max3A = arith.constant 1.000000e+00 : f32
      %max3A_140 = vector.broadcast %max3A : f32 to vector<16xf32>
      %max3A_141 = arith.maximumf %get3A_139, %max3A_140 : vector<16xf32>
      %bitcast_convert_type3A = tpu.bitcast %max3A_141 : vector<16xf32> -> vector<16xi32>
      %shift_right_arithmetic3A = arith.constant 1 : i32
      %shift_right_arithmetic3A_142 = vector.broadcast %shift_right_arithmetic3A : i32 to vector<16xi32>
      %shift_right_arithmetic3A_143 = arith.shrsi %bitcast_convert_type3A, %shift_right_arithmetic3A_142 : vector<16xi32>
      %sub3A = arith.constant 1597463007 : i32
      %sub3A_144 = vector.broadcast %sub3A : i32 to vector<16xi32>
      %sub3A_145 = arith.subi %sub3A_144, %shift_right_arithmetic3A_143 : vector<16xi32>
      %bitcast_convert_type3A_146 = tpu.bitcast %sub3A_145 : vector<16xi32> -> vector<16xf32>
      %mul3A_147 = arith.constant 5.000000e-01 : f32
      %mul3A_148 = vector.broadcast %mul3A_147 : f32 to vector<16xf32>
      %mul3A_149 = arith.mulf %mul3A_148, %max3A_141 : vector<16xf32>
      %mul3A_150 = arith.mulf %mul3A_149, %bitcast_convert_type3A_146 : vector<16xf32>
      %mul3A_151 = arith.mulf %mul3A_150, %bitcast_convert_type3A_146 : vector<16xf32>
      %sub3A_152 = arith.constant 1.500000e+00 : f32
      %sub3A_153 = vector.broadcast %sub3A_152 : f32 to vector<16xf32>
      %sub3A_154 = arith.subf %sub3A_153, %mul3A_151 : vector<16xf32>
      %mul3A_155 = arith.mulf %bitcast_convert_type3A_146, %sub3A_154 : vector<16xf32>
      %mul3A_156 = arith.constant 5.000000e-01 : f32
      %mul3A_157 = vector.broadcast %mul3A_156 : f32 to vector<16xf32>
      %mul3A_158 = arith.mulf %mul3A_157, %max3A_141 : vector<16xf32>
      %mul3A_159 = arith.mulf %mul3A_158, %mul3A_155 : vector<16xf32>
      %mul3A_160 = arith.mulf %mul3A_159, %mul3A_155 : vector<16xf32>
      %sub3A_161 = arith.constant 1.500000e+00 : f32
      %sub3A_162 = vector.broadcast %sub3A_161 : f32 to vector<16xf32>
      %sub3A_163 = arith.subf %sub3A_162, %mul3A_160 : vector<16xf32>
      %mul3A_164 = arith.mulf %mul3A_155, %sub3A_163 : vector<16xf32>
      %mul3A_165 = arith.constant 5.000000e-01 : f32
      %mul3A_166 = vector.broadcast %mul3A_165 : f32 to vector<16xf32>
      %mul3A_167 = arith.mulf %mul3A_166, %max3A_141 : vector<16xf32>
      %mul3A_168 = arith.mulf %mul3A_167, %mul3A_164 : vector<16xf32>
      %mul3A_169 = arith.mulf %mul3A_168, %mul3A_164 : vector<16xf32>
      %sub3A_170 = arith.constant 1.500000e+00 : f32
      %sub3A_171 = vector.broadcast %sub3A_170 : f32 to vector<16xf32>
      %sub3A_172 = arith.subf %sub3A_171, %mul3A_169 : vector<16xf32>
      %mul3A_173 = arith.mulf %mul3A_164, %sub3A_172 : vector<16xf32>
      %mul3A_174 = arith.constant 16 : i32
      %mul3A_175 = arith.muli %scan3A_136, %mul3A_174 : i32
      %swap3A_176 = arith.index_cast %mul3A_175 : i32 to index
      %swap3A_177 = tpu.vector_load %arg9[%swap3A_176] {strides = array<i32>} : memref<640xf32, #tpu.memory_space<vmem>>, vector<16xf32>,
      tpu.vector_store %arg9[%swap3A_176], %mul3A_173 {strides = array<i32>} : memref<640xf32, #tpu.memory_space<vmem>>, vector<16xf32>,
    }
    %scan3A_81 = arith.constant 40 : i32
    "tpu.region"() ({
      %run_scoped3A = tpu.sem_alloc : memref<!tpu.dma_semaphore, #tpu.memory_space<semaphore_mem>>
      %dma_start3A = tpu.memref_slice %arg11[%mul3A_0] : memref<10240xf32, #tpu.memory_space<vmem_shared>> -> memref<640xf32, #tpu.memory_space<vmem_shared>>
      %dma_start3A_136 = tpu.memref_slice %arg11[%mul3A_0] : memref<10240xf32, #tpu.memory_space<vmem_shared>> -> memref<640xf32, #tpu.memory_space<vmem_shared>>
      tpu.enqueue_dma source(%arg9 : memref<640xf32, #tpu.memory_space<vmem>>) target(%dma_start3A_136 : memref<640xf32, #tpu.memory_space<vmem_shared>>) target_semaphore(%run_scoped3A : memref<!tpu.dma_semaphore, #tpu.memory_space<semaphore_mem>>)
      %dma_wait3A = tpu.memref_slice %arg11[%mul3A_0] : memref<10240xf32, #tpu.memory_space<vmem_shared>> -> memref<640xf32, #tpu.memory_space<vmem_shared>>
      %dma_wait3A_137 = tpu.memref_slice %arg11[%mul3A_0] : memref<10240xf32, #tpu.memory_space<vmem_shared>> -> memref<640xf32, #tpu.memory_space<vmem_shared>>
      tpu.wait_dma2 semaphore(%run_scoped3A : memref<!tpu.dma_semaphore, #tpu.memory_space<semaphore_mem>>) src(%arg9 : memref<640xf32, #tpu.memory_space<vmem>>) dst(%dma_wait3A_137 : memref<640xf32, #tpu.memory_space<vmem_shared>>)
      tpu.yield
    }) : () -> ()
    %barrier3A_82 = arith.constant 0 : index
    tpu.barrier barrier_id(%barrier3A_82)
    "tpu.region"() ({
      %run_scoped3A = tpu.sem_alloc : memref<!tpu.dma_semaphore, #tpu.memory_space<semaphore_mem>>
      tpu.enqueue_dma source(%arg11 : memref<10240xf32, #tpu.memory_space<vmem_shared>>) target(%arg8 : memref<10240xf32, #tpu.memory_space<vmem>>) target_semaphore(%run_scoped3A : memref<!tpu.dma_semaphore, #tpu.memory_space<semaphore_mem>>)
      tpu.wait_dma2 semaphore(%run_scoped3A : memref<!tpu.dma_semaphore, #tpu.memory_space<semaphore_mem>>) src(%arg11 : memref<10240xf32, #tpu.memory_space<vmem_shared>>) dst(%arg8 : memref<10240xf32, #tpu.memory_space<vmem>>)
      tpu.yield
    }) : () -> ()
    %barrier3A_83 = arith.constant 0 : index
    tpu.barrier barrier_id(%barrier3A_83)
    %scan3A_84 = arith.constant 0 : i32
    %scan3A_85 = arith.constant 40 : i32
    %scan3A_86 = arith.addi %scan3A_84, %scan3A_85 : i32
    %scan3A_87 = arith.constant 1 : i32
    scf.for %scan3A_136 = %scan3A_84 to %scan3A_86 step %scan3A_87  : i32 {
      %mul3A_137 = arith.constant 16 : i32
      %mul3A_138 = arith.muli %scan3A_136, %mul3A_137 : i32
      %swap3A_139 = arith.index_cast %mul3A_138 : i32 to index
      %swap3A_140 = tpu.vector_load %arg9[%swap3A_139] {strides = array<i32>} : memref<640xf32, #tpu.memory_space<vmem>>, vector<16xf32>,
      tpu.vector_store %arg9[%swap3A_139], %broadcast_in_dim3A_24 {strides = array<i32>} : memref<640xf32, #tpu.memory_space<vmem>>, vector<16xf32>,
    }
    %scan3A_88 = arith.constant 40 : i32
    "tpu.region"() ({
      %run_scoped3A = tpu.sem_alloc : memref<!tpu.dma_semaphore, #tpu.memory_space<semaphore_mem>>
      %dma_start3A = tpu.memref_slice %arg11[%mul3A_0] : memref<10240xf32, #tpu.memory_space<vmem_shared>> -> memref<640xf32, #tpu.memory_space<vmem_shared>>
      %dma_start3A_136 = tpu.memref_slice %arg11[%mul3A_0] : memref<10240xf32, #tpu.memory_space<vmem_shared>> -> memref<640xf32, #tpu.memory_space<vmem_shared>>
      tpu.enqueue_dma source(%arg9 : memref<640xf32, #tpu.memory_space<vmem>>) target(%dma_start3A_136 : memref<640xf32, #tpu.memory_space<vmem_shared>>) target_semaphore(%run_scoped3A : memref<!tpu.dma_semaphore, #tpu.memory_space<semaphore_mem>>)
      %dma_wait3A = tpu.memref_slice %arg11[%mul3A_0] : memref<10240xf32, #tpu.memory_space<vmem_shared>> -> memref<640xf32, #tpu.memory_space<vmem_shared>>
      %dma_wait3A_137 = tpu.memref_slice %arg11[%mul3A_0] : memref<10240xf32, #tpu.memory_space<vmem_shared>> -> memref<640xf32, #tpu.memory_space<vmem_shared>>
      tpu.wait_dma2 semaphore(%run_scoped3A : memref<!tpu.dma_semaphore, #tpu.memory_space<semaphore_mem>>) src(%arg9 : memref<640xf32, #tpu.memory_space<vmem>>) dst(%dma_wait3A_137 : memref<640xf32, #tpu.memory_space<vmem_shared>>)
      tpu.yield
    }) : () -> ()
    %barrier3A_89 = arith.constant 0 : index
    tpu.barrier barrier_id(%barrier3A_89)
    %scan3A_90 = arith.constant 9.99999974E-5 : f32
    %scan3A_91 = arith.constant 0 : i32
    %scan3A_92 = arith.constant 80 : i32
    %scan3A_93 = arith.addi %scan3A_91, %scan3A_92 : i32
    %scan3A_94 = arith.constant 1 : i32
    scf.for %scan3A_136 = %scan3A_91 to %scan3A_93 step %scan3A_94  : i32 {
      %get3A = arith.index_cast %scan3A_136 : i32 to index
      %get3A_137 = arith.constant 0 : index
      %get3A_138 = tpu.vector_load %arg4[%get3A, %get3A_137] {strides = array<i32>} : memref<80x128xi32, #tpu.memory_space<vmem>>, vector<16xi32>,
      %gather3A = tpu.vector_load_idx %arg8[%get3A_138] : memref<10240xf32, #tpu.memory_space<vmem>>[vector<16xi32>], vector<16xf32>,
      %get3A_139 = arith.index_cast %scan3A_136 : i32 to index
      %get3A_140 = arith.constant 0 : index
      %get3A_141 = tpu.vector_load %arg5[%get3A_139, %get3A_140] {strides = array<i32>} : memref<80x128xi32, #tpu.memory_space<vmem>>, vector<16xi32>,
      %gather3A_142 = tpu.vector_load_idx %arg8[%get3A_141] : memref<10240xf32, #tpu.memory_space<vmem>>[vector<16xi32>], vector<16xf32>,
      %mul3A_143 = arith.mulf %gather3A, %gather3A_142 : vector<16xf32>
      %swap3A_144 = arith.index_cast %scan3A_136 : i32 to index
      %swap3A_145 = arith.constant 0 : index
      %swap3A_146 = tpu.vector_load %arg6[%swap3A_144, %swap3A_145] {strides = array<i32>} : memref<80x128xf32, #tpu.memory_space<vmem>>, vector<16xf32>,
      tpu.vector_store %arg6[%swap3A_144, %swap3A_145], %mul3A_143 {strides = array<i32>} : memref<80x128xf32, #tpu.memory_space<vmem>>, vector<16xf32>,
      %mul3A_147 = vector.broadcast %scan3A_90 : f32 to vector<16xf32>
      %mul3A_148 = arith.mulf %mul3A_143, %mul3A_147 : vector<16xf32>
      %swap3A_149 = arith.index_cast %scan3A_136 : i32 to index
      %swap3A_150 = arith.constant 0 : index
      %swap3A_151 = tpu.vector_load %arg7[%swap3A_149, %swap3A_150] {strides = array<i32>} : memref<80x128xf32, #tpu.memory_space<vmem>>, vector<16xf32>,
      tpu.vector_store %arg7[%swap3A_149, %swap3A_150], %mul3A_148 {strides = array<i32>} : memref<80x128xf32, #tpu.memory_space<vmem>>, vector<16xf32>,
      %get3A_152 = arith.index_cast %scan3A_136 : i32 to index
      %get3A_153 = arith.constant 16 : index
      %get3A_154 = tpu.vector_load %arg4[%get3A_152, %get3A_153] {strides = array<i32>} : memref<80x128xi32, #tpu.memory_space<vmem>>, vector<16xi32>,
      %gather3A_155 = tpu.vector_load_idx %arg8[%get3A_154] : memref<10240xf32, #tpu.memory_space<vmem>>[vector<16xi32>], vector<16xf32>,
      %get3A_156 = arith.index_cast %scan3A_136 : i32 to index
      %get3A_157 = arith.constant 16 : index
      %get3A_158 = tpu.vector_load %arg5[%get3A_156, %get3A_157] {strides = array<i32>} : memref<80x128xi32, #tpu.memory_space<vmem>>, vector<16xi32>,
      %gather3A_159 = tpu.vector_load_idx %arg8[%get3A_158] : memref<10240xf32, #tpu.memory_space<vmem>>[vector<16xi32>], vector<16xf32>,
      %mul3A_160 = arith.mulf %gather3A_155, %gather3A_159 : vector<16xf32>
      %swap3A_161 = arith.index_cast %scan3A_136 : i32 to index
      %swap3A_162 = arith.constant 16 : index
      %swap3A_163 = tpu.vector_load %arg6[%swap3A_161, %swap3A_162] {strides = array<i32>} : memref<80x128xf32, #tpu.memory_space<vmem>>, vector<16xf32>,
      tpu.vector_store %arg6[%swap3A_161, %swap3A_162], %mul3A_160 {strides = array<i32>} : memref<80x128xf32, #tpu.memory_space<vmem>>, vector<16xf32>,
      %mul3A_164 = vector.broadcast %scan3A_90 : f32 to vector<16xf32>
      %mul3A_165 = arith.mulf %mul3A_160, %mul3A_164 : vector<16xf32>
      %swap3A_166 = arith.index_cast %scan3A_136 : i32 to index
      %swap3A_167 = arith.constant 16 : index
      %swap3A_168 = tpu.vector_load %arg7[%swap3A_166, %swap3A_167] {strides = array<i32>} : memref<80x128xf32, #tpu.memory_space<vmem>>, vector<16xf32>,
      tpu.vector_store %arg7[%swap3A_166, %swap3A_167], %mul3A_165 {strides = array<i32>} : memref<80x128xf32, #tpu.memory_space<vmem>>, vector<16xf32>,
      %get3A_169 = arith.index_cast %scan3A_136 : i32 to index
      %get3A_170 = arith.constant 32 : index
      %get3A_171 = tpu.vector_load %arg4[%get3A_169, %get3A_170] {strides = array<i32>} : memref<80x128xi32, #tpu.memory_space<vmem>>, vector<16xi32>,
      %gather3A_172 = tpu.vector_load_idx %arg8[%get3A_171] : memref<10240xf32, #tpu.memory_space<vmem>>[vector<16xi32>], vector<16xf32>,
      %get3A_173 = arith.index_cast %scan3A_136 : i32 to index
      %get3A_174 = arith.constant 32 : index
      %get3A_175 = tpu.vector_load %arg5[%get3A_173, %get3A_174] {strides = array<i32>} : memref<80x128xi32, #tpu.memory_space<vmem>>, vector<16xi32>,
      %gather3A_176 = tpu.vector_load_idx %arg8[%get3A_175] : memref<10240xf32, #tpu.memory_space<vmem>>[vector<16xi32>], vector<16xf32>,
      %mul3A_177 = arith.mulf %gather3A_172, %gather3A_176 : vector<16xf32>
      %swap3A_178 = arith.index_cast %scan3A_136 : i32 to index
      %swap3A_179 = arith.constant 32 : index
      %swap3A_180 = tpu.vector_load %arg6[%swap3A_178, %swap3A_179] {strides = array<i32>} : memref<80x128xf32, #tpu.memory_space<vmem>>, vector<16xf32>,
      tpu.vector_store %arg6[%swap3A_178, %swap3A_179], %mul3A_177 {strides = array<i32>} : memref<80x128xf32, #tpu.memory_space<vmem>>, vector<16xf32>,
      %mul3A_181 = vector.broadcast %scan3A_90 : f32 to vector<16xf32>
      %mul3A_182 = arith.mulf %mul3A_177, %mul3A_181 : vector<16xf32>
      %swap3A_183 = arith.index_cast %scan3A_136 : i32 to index
      %swap3A_184 = arith.constant 32 : index
      %swap3A_185 = tpu.vector_load %arg7[%swap3A_183, %swap3A_184] {strides = array<i32>} : memref<80x128xf32, #tpu.memory_space<vmem>>, vector<16xf32>,
      tpu.vector_store %arg7[%swap3A_183, %swap3A_184], %mul3A_182 {strides = array<i32>} : memref<80x128xf32, #tpu.memory_space<vmem>>, vector<16xf32>,
      %get3A_186 = arith.index_cast %scan3A_136 : i32 to index
      %get3A_187 = arith.constant 48 : index
      %get3A_188 = tpu.vector_load %arg4[%get3A_186, %get3A_187] {strides = array<i32>} : memref<80x128xi32, #tpu.memory_space<vmem>>, vector<16xi32>,
      %gather3A_189 = tpu.vector_load_idx %arg8[%get3A_188] : memref<10240xf32, #tpu.memory_space<vmem>>[vector<16xi32>], vector<16xf32>,
      %get3A_190 = arith.index_cast %scan3A_136 : i32 to index
      %get3A_191 = arith.constant 48 : index
      %get3A_192 = tpu.vector_load %arg5[%get3A_190, %get3A_191] {strides = array<i32>} : memref<80x128xi32, #tpu.memory_space<vmem>>, vector<16xi32>,
      %gather3A_193 = tpu.vector_load_idx %arg8[%get3A_192] : memref<10240xf32, #tpu.memory_space<vmem>>[vector<16xi32>], vector<16xf32>,
      %mul3A_194 = arith.mulf %gather3A_189, %gather3A_193 : vector<16xf32>
      %swap3A_195 = arith.index_cast %scan3A_136 : i32 to index
      %swap3A_196 = arith.constant 48 : index
      %swap3A_197 = tpu.vector_load %arg6[%swap3A_195, %swap3A_196] {strides = array<i32>} : memref<80x128xf32, #tpu.memory_space<vmem>>, vector<16xf32>,
      tpu.vector_store %arg6[%swap3A_195, %swap3A_196], %mul3A_194 {strides = array<i32>} : memref<80x128xf32, #tpu.memory_space<vmem>>, vector<16xf32>,
      %mul3A_198 = vector.broadcast %scan3A_90 : f32 to vector<16xf32>
      %mul3A_199 = arith.mulf %mul3A_194, %mul3A_198 : vector<16xf32>
      %swap3A_200 = arith.index_cast %scan3A_136 : i32 to index
      %swap3A_201 = arith.constant 48 : index
      %swap3A_202 = tpu.vector_load %arg7[%swap3A_200, %swap3A_201] {strides = array<i32>} : memref<80x128xf32, #tpu.memory_space<vmem>>, vector<16xf32>,
      tpu.vector_store %arg7[%swap3A_200, %swap3A_201], %mul3A_199 {strides = array<i32>} : memref<80x128xf32, #tpu.memory_space<vmem>>, vector<16xf32>,
      %get3A_203 = arith.index_cast %scan3A_136 : i32 to index
      %get3A_204 = arith.constant 64 : index
      %get3A_205 = tpu.vector_load %arg4[%get3A_203, %get3A_204] {strides = array<i32>} : memref<80x128xi32, #tpu.memory_space<vmem>>, vector<16xi32>,
      %gather3A_206 = tpu.vector_load_idx %arg8[%get3A_205] : memref<10240xf32, #tpu.memory_space<vmem>>[vector<16xi32>], vector<16xf32>,
      %get3A_207 = arith.index_cast %scan3A_136 : i32 to index
      %get3A_208 = arith.constant 64 : index
      %get3A_209 = tpu.vector_load %arg5[%get3A_207, %get3A_208] {strides = array<i32>} : memref<80x128xi32, #tpu.memory_space<vmem>>, vector<16xi32>,
      %gather3A_210 = tpu.vector_load_idx %arg8[%get3A_209] : memref<10240xf32, #tpu.memory_space<vmem>>[vector<16xi32>], vector<16xf32>,
      %mul3A_211 = arith.mulf %gather3A_206, %gather3A_210 : vector<16xf32>
      %swap3A_212 = arith.index_cast %scan3A_136 : i32 to index
      %swap3A_213 = arith.constant 64 : index
      %swap3A_214 = tpu.vector_load %arg6[%swap3A_212, %swap3A_213] {strides = array<i32>} : memref<80x128xf32, #tpu.memory_space<vmem>>, vector<16xf32>,
      tpu.vector_store %arg6[%swap3A_212, %swap3A_213], %mul3A_211 {strides = array<i32>} : memref<80x128xf32, #tpu.memory_space<vmem>>, vector<16xf32>,
      %mul3A_215 = vector.broadcast %scan3A_90 : f32 to vector<16xf32>
      %mul3A_216 = arith.mulf %mul3A_211, %mul3A_215 : vector<16xf32>
      %swap3A_217 = arith.index_cast %scan3A_136 : i32 to index
      %swap3A_218 = arith.constant 64 : index
      %swap3A_219 = tpu.vector_load %arg7[%swap3A_217, %swap3A_218] {strides = array<i32>} : memref<80x128xf32, #tpu.memory_space<vmem>>, vector<16xf32>,
      tpu.vector_store %arg7[%swap3A_217, %swap3A_218], %mul3A_216 {strides = array<i32>} : memref<80x128xf32, #tpu.memory_space<vmem>>, vector<16xf32>,
      %get3A_220 = arith.index_cast %scan3A_136 : i32 to index
      %get3A_221 = arith.constant 80 : index
      %get3A_222 = tpu.vector_load %arg4[%get3A_220, %get3A_221] {strides = array<i32>} : memref<80x128xi32, #tpu.memory_space<vmem>>, vector<16xi32>,
      %gather3A_223 = tpu.vector_load_idx %arg8[%get3A_222] : memref<10240xf32, #tpu.memory_space<vmem>>[vector<16xi32>], vector<16xf32>,
      %get3A_224 = arith.index_cast %scan3A_136 : i32 to index
      %get3A_225 = arith.constant 80 : index
      %get3A_226 = tpu.vector_load %arg5[%get3A_224, %get3A_225] {strides = array<i32>} : memref<80x128xi32, #tpu.memory_space<vmem>>, vector<16xi32>,
      %gather3A_227 = tpu.vector_load_idx %arg8[%get3A_226] : memref<10240xf32, #tpu.memory_space<vmem>>[vector<16xi32>], vector<16xf32>,
      %mul3A_228 = arith.mulf %gather3A_223, %gather3A_227 : vector<16xf32>
      %swap3A_229 = arith.index_cast %scan3A_136 : i32 to index
      %swap3A_230 = arith.constant 80 : index
      %swap3A_231 = tpu.vector_load %arg6[%swap3A_229, %swap3A_230] {strides = array<i32>} : memref<80x128xf32, #tpu.memory_space<vmem>>, vector<16xf32>,
      tpu.vector_store %arg6[%swap3A_229, %swap3A_230], %mul3A_228 {strides = array<i32>} : memref<80x128xf32, #tpu.memory_space<vmem>>, vector<16xf32>,
      %mul3A_232 = vector.broadcast %scan3A_90 : f32 to vector<16xf32>
      %mul3A_233 = arith.mulf %mul3A_228, %mul3A_232 : vector<16xf32>
      %swap3A_234 = arith.index_cast %scan3A_136 : i32 to index
      %swap3A_235 = arith.constant 80 : index
      %swap3A_236 = tpu.vector_load %arg7[%swap3A_234, %swap3A_235] {strides = array<i32>} : memref<80x128xf32, #tpu.memory_space<vmem>>, vector<16xf32>,
      tpu.vector_store %arg7[%swap3A_234, %swap3A_235], %mul3A_233 {strides = array<i32>} : memref<80x128xf32, #tpu.memory_space<vmem>>, vector<16xf32>,
      %get3A_237 = arith.index_cast %scan3A_136 : i32 to index
      %get3A_238 = arith.constant 96 : index
      %get3A_239 = tpu.vector_load %arg4[%get3A_237, %get3A_238] {strides = array<i32>} : memref<80x128xi32, #tpu.memory_space<vmem>>, vector<16xi32>,
      %gather3A_240 = tpu.vector_load_idx %arg8[%get3A_239] : memref<10240xf32, #tpu.memory_space<vmem>>[vector<16xi32>], vector<16xf32>,
      %get3A_241 = arith.index_cast %scan3A_136 : i32 to index
      %get3A_242 = arith.constant 96 : index
      %get3A_243 = tpu.vector_load %arg5[%get3A_241, %get3A_242] {strides = array<i32>} : memref<80x128xi32, #tpu.memory_space<vmem>>, vector<16xi32>,
      %gather3A_244 = tpu.vector_load_idx %arg8[%get3A_243] : memref<10240xf32, #tpu.memory_space<vmem>>[vector<16xi32>], vector<16xf32>,
      %mul3A_245 = arith.mulf %gather3A_240, %gather3A_244 : vector<16xf32>
      %swap3A_246 = arith.index_cast %scan3A_136 : i32 to index
      %swap3A_247 = arith.constant 96 : index
      %swap3A_248 = tpu.vector_load %arg6[%swap3A_246, %swap3A_247] {strides = array<i32>} : memref<80x128xf32, #tpu.memory_space<vmem>>, vector<16xf32>,
      tpu.vector_store %arg6[%swap3A_246, %swap3A_247], %mul3A_245 {strides = array<i32>} : memref<80x128xf32, #tpu.memory_space<vmem>>, vector<16xf32>,
      %mul3A_249 = vector.broadcast %scan3A_90 : f32 to vector<16xf32>
      %mul3A_250 = arith.mulf %mul3A_245, %mul3A_249 : vector<16xf32>
      %swap3A_251 = arith.index_cast %scan3A_136 : i32 to index
      %swap3A_252 = arith.constant 96 : index
      %swap3A_253 = tpu.vector_load %arg7[%swap3A_251, %swap3A_252] {strides = array<i32>} : memref<80x128xf32, #tpu.memory_space<vmem>>, vector<16xf32>,
      tpu.vector_store %arg7[%swap3A_251, %swap3A_252], %mul3A_250 {strides = array<i32>} : memref<80x128xf32, #tpu.memory_space<vmem>>, vector<16xf32>,
      %get3A_254 = arith.index_cast %scan3A_136 : i32 to index
      %get3A_255 = arith.constant 112 : index
      %get3A_256 = tpu.vector_load %arg4[%get3A_254, %get3A_255] {strides = array<i32>} : memref<80x128xi32, #tpu.memory_space<vmem>>, vector<16xi32>,
      %gather3A_257 = tpu.vector_load_idx %arg8[%get3A_256] : memref<10240xf32, #tpu.memory_space<vmem>>[vector<16xi32>], vector<16xf32>,
      %get3A_258 = arith.index_cast %scan3A_136 : i32 to index
      %get3A_259 = arith.constant 112 : index
      %get3A_260 = tpu.vector_load %arg5[%get3A_258, %get3A_259] {strides = array<i32>} : memref<80x128xi32, #tpu.memory_space<vmem>>, vector<16xi32>,
      %gather3A_261 = tpu.vector_load_idx %arg8[%get3A_260] : memref<10240xf32, #tpu.memory_space<vmem>>[vector<16xi32>], vector<16xf32>,
      %mul3A_262 = arith.mulf %gather3A_257, %gather3A_261 : vector<16xf32>
      %swap3A_263 = arith.index_cast %scan3A_136 : i32 to index
      %swap3A_264 = arith.constant 112 : index
      %swap3A_265 = tpu.vector_load %arg6[%swap3A_263, %swap3A_264] {strides = array<i32>} : memref<80x128xf32, #tpu.memory_space<vmem>>, vector<16xf32>,
      tpu.vector_store %arg6[%swap3A_263, %swap3A_264], %mul3A_262 {strides = array<i32>} : memref<80x128xf32, #tpu.memory_space<vmem>>, vector<16xf32>,
      %mul3A_266 = vector.broadcast %scan3A_90 : f32 to vector<16xf32>
      %mul3A_267 = arith.mulf %mul3A_262, %mul3A_266 : vector<16xf32>
      %swap3A_268 = arith.index_cast %scan3A_136 : i32 to index
      %swap3A_269 = arith.constant 112 : index
      %swap3A_270 = tpu.vector_load %arg7[%swap3A_268, %swap3A_269] {strides = array<i32>} : memref<80x128xf32, #tpu.memory_space<vmem>>, vector<16xf32>,
      tpu.vector_store %arg7[%swap3A_268, %swap3A_269], %mul3A_267 {strides = array<i32>} : memref<80x128xf32, #tpu.memory_space<vmem>>, vector<16xf32>,
      %dma_start3A = arith.constant 0 : i32
      %dma_start3A_271 = tpu.memref_slice %arg7[%scan3A_136, %dma_start3A] : memref<80x128xf32, #tpu.memory_space<vmem>> -> memref<1x128xf32, #tpu.memory_space<vmem>>
      %dma_start3A_272 = tpu.memref_squeeze %dma_start3A_271 : memref<1x128xf32, #tpu.memory_space<vmem>> -> memref<128xf32, #tpu.memory_space<vmem>>
      %dma_start3A_273 = arith.constant 0 : i32
      %dma_start3A_274 = tpu.memref_slice %arg4[%scan3A_136, %dma_start3A_273] : memref<80x128xi32, #tpu.memory_space<vmem>> -> memref<1x128xi32, #tpu.memory_space<vmem>>
      %dma_start3A_275 = tpu.memref_squeeze %dma_start3A_274 : memref<1x128xi32, #tpu.memory_space<vmem>> -> memref<128xi32, #tpu.memory_space<vmem>>
      %dma_start3A_276 = arith.constant 0 : i32
      %dma_start3A_277 = tpu.memref_slice %arg11[%dma_start3A_276] : memref<10240xf32, #tpu.memory_space<vmem_shared>> -> memref<10240xf32, #tpu.memory_space<vmem_shared>>
      tpu.enqueue_indirect_dma source(%dma_start3A_272 : memref<128xf32, #tpu.memory_space<vmem>>) target(%dma_start3A_277 : memref<10240xf32, #tpu.memory_space<vmem_shared>>) offsets(%dma_start3A_275 : memref<128xi32, #tpu.memory_space<vmem>>) semaphore(%arg12 : memref<!tpu.dma_semaphore, #tpu.memory_space<semaphore_mem>>) {add = true}
    }
    %scan3A_95 = arith.constant 80 : i32
    tpu.wait_dma2 semaphore(%arg12 : memref<!tpu.dma_semaphore, #tpu.memory_space<semaphore_mem>>) src(%arg8 : memref<10240xf32, #tpu.memory_space<vmem>>) dst(%arg11 : memref<10240xf32, #tpu.memory_space<vmem_shared>>)
    %barrier3A_96 = arith.constant 0 : index
    tpu.barrier barrier_id(%barrier3A_96)
    "tpu.region"() ({
      %run_scoped3A = tpu.sem_alloc : memref<!tpu.dma_semaphore, #tpu.memory_space<semaphore_mem>>
      tpu.enqueue_dma source(%arg11 : memref<10240xf32, #tpu.memory_space<vmem_shared>>) target(%arg8 : memref<10240xf32, #tpu.memory_space<vmem>>) target_semaphore(%run_scoped3A : memref<!tpu.dma_semaphore, #tpu.memory_space<semaphore_mem>>)
      tpu.wait_dma2 semaphore(%run_scoped3A : memref<!tpu.dma_semaphore, #tpu.memory_space<semaphore_mem>>) src(%arg11 : memref<10240xf32, #tpu.memory_space<vmem_shared>>) dst(%arg8 : memref<10240xf32, #tpu.memory_space<vmem>>)
      tpu.yield
    }) : () -> ()
    %scan3A_97 = arith.constant 0 : i32
    %scan3A_98 = arith.constant 40 : i32
    %scan3A_99 = arith.addi %scan3A_97, %scan3A_98 : i32
    %scan3A_100 = arith.constant 1 : i32
    scf.for %scan3A_136 = %scan3A_97 to %scan3A_99 step %scan3A_100  : i32 {
      %mul3A_137 = arith.constant 16 : i32
      %mul3A_138 = arith.muli %scan3A_136, %mul3A_137 : i32
      %swap3A_139 = arith.index_cast %mul3A_138 : i32 to index
      %swap3A_140 = tpu.vector_load %arg9[%swap3A_139] {strides = array<i32>} : memref<640xf32, #tpu.memory_space<vmem>>, vector<16xf32>,
      tpu.vector_store %arg9[%swap3A_139], %broadcast_in_dim3A_24 {strides = array<i32>} : memref<640xf32, #tpu.memory_space<vmem>>, vector<16xf32>,
    }
    %scan3A_101 = arith.constant 40 : i32
    "tpu.region"() ({
      %run_scoped3A = tpu.sem_alloc : memref<!tpu.dma_semaphore, #tpu.memory_space<semaphore_mem>>
      %dma_start3A = tpu.memref_slice %arg10[%mul3A_0] : memref<10240xf32, #tpu.memory_space<vmem_shared>> -> memref<640xf32, #tpu.memory_space<vmem_shared>>
      %dma_start3A_136 = tpu.memref_slice %arg10[%mul3A_0] : memref<10240xf32, #tpu.memory_space<vmem_shared>> -> memref<640xf32, #tpu.memory_space<vmem_shared>>
      tpu.enqueue_dma source(%arg9 : memref<640xf32, #tpu.memory_space<vmem>>) target(%dma_start3A_136 : memref<640xf32, #tpu.memory_space<vmem_shared>>) target_semaphore(%run_scoped3A : memref<!tpu.dma_semaphore, #tpu.memory_space<semaphore_mem>>)
      %dma_wait3A = tpu.memref_slice %arg10[%mul3A_0] : memref<10240xf32, #tpu.memory_space<vmem_shared>> -> memref<640xf32, #tpu.memory_space<vmem_shared>>
      %dma_wait3A_137 = tpu.memref_slice %arg10[%mul3A_0] : memref<10240xf32, #tpu.memory_space<vmem_shared>> -> memref<640xf32, #tpu.memory_space<vmem_shared>>
      tpu.wait_dma2 semaphore(%run_scoped3A : memref<!tpu.dma_semaphore, #tpu.memory_space<semaphore_mem>>) src(%arg9 : memref<640xf32, #tpu.memory_space<vmem>>) dst(%dma_wait3A_137 : memref<640xf32, #tpu.memory_space<vmem_shared>>)
      tpu.yield
    }) : () -> ()
    %barrier3A_102 = arith.constant 0 : index
    tpu.barrier barrier_id(%barrier3A_102)
    %scan3A_103 = arith.constant 0 : i32
    %scan3A_104 = arith.constant 80 : i32
    %scan3A_105 = arith.addi %scan3A_103, %scan3A_104 : i32
    %scan3A_106 = arith.constant 1 : i32
    scf.for %scan3A_136 = %scan3A_103 to %scan3A_105 step %scan3A_106  : i32 {
      %get3A = arith.index_cast %scan3A_136 : i32 to index
      %get3A_137 = arith.constant 0 : index
      %get3A_138 = tpu.vector_load %arg5[%get3A, %get3A_137] {strides = array<i32>} : memref<80x128xi32, #tpu.memory_space<vmem>>, vector<16xi32>,
      %gather3A = tpu.vector_load_idx %arg8[%get3A_138] : memref<10240xf32, #tpu.memory_space<vmem>>[vector<16xi32>], vector<16xf32>,
      %get3A_139 = arith.index_cast %scan3A_136 : i32 to index
      %get3A_140 = arith.constant 0 : index
      %get3A_141 = tpu.vector_load %arg6[%get3A_139, %get3A_140] {strides = array<i32>} : memref<80x128xf32, #tpu.memory_space<vmem>>, vector<16xf32>,
      %mul3A_142 = arith.mulf %gather3A, %get3A_141 : vector<16xf32>
      %swap3A_143 = arith.index_cast %scan3A_136 : i32 to index
      %swap3A_144 = arith.constant 0 : index
      %swap3A_145 = tpu.vector_load %arg7[%swap3A_143, %swap3A_144] {strides = array<i32>} : memref<80x128xf32, #tpu.memory_space<vmem>>, vector<16xf32>,
      tpu.vector_store %arg7[%swap3A_143, %swap3A_144], %mul3A_142 {strides = array<i32>} : memref<80x128xf32, #tpu.memory_space<vmem>>, vector<16xf32>,
      %get3A_146 = arith.index_cast %scan3A_136 : i32 to index
      %get3A_147 = arith.constant 16 : index
      %get3A_148 = tpu.vector_load %arg5[%get3A_146, %get3A_147] {strides = array<i32>} : memref<80x128xi32, #tpu.memory_space<vmem>>, vector<16xi32>,
      %gather3A_149 = tpu.vector_load_idx %arg8[%get3A_148] : memref<10240xf32, #tpu.memory_space<vmem>>[vector<16xi32>], vector<16xf32>,
      %get3A_150 = arith.index_cast %scan3A_136 : i32 to index
      %get3A_151 = arith.constant 16 : index
      %get3A_152 = tpu.vector_load %arg6[%get3A_150, %get3A_151] {strides = array<i32>} : memref<80x128xf32, #tpu.memory_space<vmem>>, vector<16xf32>,
      %mul3A_153 = arith.mulf %gather3A_149, %get3A_152 : vector<16xf32>
      %swap3A_154 = arith.index_cast %scan3A_136 : i32 to index
      %swap3A_155 = arith.constant 16 : index
      %swap3A_156 = tpu.vector_load %arg7[%swap3A_154, %swap3A_155] {strides = array<i32>} : memref<80x128xf32, #tpu.memory_space<vmem>>, vector<16xf32>,
      tpu.vector_store %arg7[%swap3A_154, %swap3A_155], %mul3A_153 {strides = array<i32>} : memref<80x128xf32, #tpu.memory_space<vmem>>, vector<16xf32>,
      %get3A_157 = arith.index_cast %scan3A_136 : i32 to index
      %get3A_158 = arith.constant 32 : index
      %get3A_159 = tpu.vector_load %arg5[%get3A_157, %get3A_158] {strides = array<i32>} : memref<80x128xi32, #tpu.memory_space<vmem>>, vector<16xi32>,
      %gather3A_160 = tpu.vector_load_idx %arg8[%get3A_159] : memref<10240xf32, #tpu.memory_space<vmem>>[vector<16xi32>], vector<16xf32>,
      %get3A_161 = arith.index_cast %scan3A_136 : i32 to index
      %get3A_162 = arith.constant 32 : index
      %get3A_163 = tpu.vector_load %arg6[%get3A_161, %get3A_162] {strides = array<i32>} : memref<80x128xf32, #tpu.memory_space<vmem>>, vector<16xf32>,
      %mul3A_164 = arith.mulf %gather3A_160, %get3A_163 : vector<16xf32>
      %swap3A_165 = arith.index_cast %scan3A_136 : i32 to index
      %swap3A_166 = arith.constant 32 : index
      %swap3A_167 = tpu.vector_load %arg7[%swap3A_165, %swap3A_166] {strides = array<i32>} : memref<80x128xf32, #tpu.memory_space<vmem>>, vector<16xf32>,
      tpu.vector_store %arg7[%swap3A_165, %swap3A_166], %mul3A_164 {strides = array<i32>} : memref<80x128xf32, #tpu.memory_space<vmem>>, vector<16xf32>,
      %get3A_168 = arith.index_cast %scan3A_136 : i32 to index
      %get3A_169 = arith.constant 48 : index
      %get3A_170 = tpu.vector_load %arg5[%get3A_168, %get3A_169] {strides = array<i32>} : memref<80x128xi32, #tpu.memory_space<vmem>>, vector<16xi32>,
      %gather3A_171 = tpu.vector_load_idx %arg8[%get3A_170] : memref<10240xf32, #tpu.memory_space<vmem>>[vector<16xi32>], vector<16xf32>,
      %get3A_172 = arith.index_cast %scan3A_136 : i32 to index
      %get3A_173 = arith.constant 48 : index
      %get3A_174 = tpu.vector_load %arg6[%get3A_172, %get3A_173] {strides = array<i32>} : memref<80x128xf32, #tpu.memory_space<vmem>>, vector<16xf32>,
      %mul3A_175 = arith.mulf %gather3A_171, %get3A_174 : vector<16xf32>
      %swap3A_176 = arith.index_cast %scan3A_136 : i32 to index
      %swap3A_177 = arith.constant 48 : index
      %swap3A_178 = tpu.vector_load %arg7[%swap3A_176, %swap3A_177] {strides = array<i32>} : memref<80x128xf32, #tpu.memory_space<vmem>>, vector<16xf32>,
      tpu.vector_store %arg7[%swap3A_176, %swap3A_177], %mul3A_175 {strides = array<i32>} : memref<80x128xf32, #tpu.memory_space<vmem>>, vector<16xf32>,
      %get3A_179 = arith.index_cast %scan3A_136 : i32 to index
      %get3A_180 = arith.constant 64 : index
      %get3A_181 = tpu.vector_load %arg5[%get3A_179, %get3A_180] {strides = array<i32>} : memref<80x128xi32, #tpu.memory_space<vmem>>, vector<16xi32>,
      %gather3A_182 = tpu.vector_load_idx %arg8[%get3A_181] : memref<10240xf32, #tpu.memory_space<vmem>>[vector<16xi32>], vector<16xf32>,
      %get3A_183 = arith.index_cast %scan3A_136 : i32 to index
      %get3A_184 = arith.constant 64 : index
      %get3A_185 = tpu.vector_load %arg6[%get3A_183, %get3A_184] {strides = array<i32>} : memref<80x128xf32, #tpu.memory_space<vmem>>, vector<16xf32>,
      %mul3A_186 = arith.mulf %gather3A_182, %get3A_185 : vector<16xf32>
      %swap3A_187 = arith.index_cast %scan3A_136 : i32 to index
      %swap3A_188 = arith.constant 64 : index
      %swap3A_189 = tpu.vector_load %arg7[%swap3A_187, %swap3A_188] {strides = array<i32>} : memref<80x128xf32, #tpu.memory_space<vmem>>, vector<16xf32>,
      tpu.vector_store %arg7[%swap3A_187, %swap3A_188], %mul3A_186 {strides = array<i32>} : memref<80x128xf32, #tpu.memory_space<vmem>>, vector<16xf32>,
      %get3A_190 = arith.index_cast %scan3A_136 : i32 to index
      %get3A_191 = arith.constant 80 : index
      %get3A_192 = tpu.vector_load %arg5[%get3A_190, %get3A_191] {strides = array<i32>} : memref<80x128xi32, #tpu.memory_space<vmem>>, vector<16xi32>,
      %gather3A_193 = tpu.vector_load_idx %arg8[%get3A_192] : memref<10240xf32, #tpu.memory_space<vmem>>[vector<16xi32>], vector<16xf32>,
      %get3A_194 = arith.index_cast %scan3A_136 : i32 to index
      %get3A_195 = arith.constant 80 : index
      %get3A_196 = tpu.vector_load %arg6[%get3A_194, %get3A_195] {strides = array<i32>} : memref<80x128xf32, #tpu.memory_space<vmem>>, vector<16xf32>,
      %mul3A_197 = arith.mulf %gather3A_193, %get3A_196 : vector<16xf32>
      %swap3A_198 = arith.index_cast %scan3A_136 : i32 to index
      %swap3A_199 = arith.constant 80 : index
      %swap3A_200 = tpu.vector_load %arg7[%swap3A_198, %swap3A_199] {strides = array<i32>} : memref<80x128xf32, #tpu.memory_space<vmem>>, vector<16xf32>,
      tpu.vector_store %arg7[%swap3A_198, %swap3A_199], %mul3A_197 {strides = array<i32>} : memref<80x128xf32, #tpu.memory_space<vmem>>, vector<16xf32>,
      %get3A_201 = arith.index_cast %scan3A_136 : i32 to index
      %get3A_202 = arith.constant 96 : index
      %get3A_203 = tpu.vector_load %arg5[%get3A_201, %get3A_202] {strides = array<i32>} : memref<80x128xi32, #tpu.memory_space<vmem>>, vector<16xi32>,
      %gather3A_204 = tpu.vector_load_idx %arg8[%get3A_203] : memref<10240xf32, #tpu.memory_space<vmem>>[vector<16xi32>], vector<16xf32>,
      %get3A_205 = arith.index_cast %scan3A_136 : i32 to index
      %get3A_206 = arith.constant 96 : index
      %get3A_207 = tpu.vector_load %arg6[%get3A_205, %get3A_206] {strides = array<i32>} : memref<80x128xf32, #tpu.memory_space<vmem>>, vector<16xf32>,
      %mul3A_208 = arith.mulf %gather3A_204, %get3A_207 : vector<16xf32>
      %swap3A_209 = arith.index_cast %scan3A_136 : i32 to index
      %swap3A_210 = arith.constant 96 : index
      %swap3A_211 = tpu.vector_load %arg7[%swap3A_209, %swap3A_210] {strides = array<i32>} : memref<80x128xf32, #tpu.memory_space<vmem>>, vector<16xf32>,
      tpu.vector_store %arg7[%swap3A_209, %swap3A_210], %mul3A_208 {strides = array<i32>} : memref<80x128xf32, #tpu.memory_space<vmem>>, vector<16xf32>,
      %get3A_212 = arith.index_cast %scan3A_136 : i32 to index
      %get3A_213 = arith.constant 112 : index
      %get3A_214 = tpu.vector_load %arg5[%get3A_212, %get3A_213] {strides = array<i32>} : memref<80x128xi32, #tpu.memory_space<vmem>>, vector<16xi32>,
      %gather3A_215 = tpu.vector_load_idx %arg8[%get3A_214] : memref<10240xf32, #tpu.memory_space<vmem>>[vector<16xi32>], vector<16xf32>,
      %get3A_216 = arith.index_cast %scan3A_136 : i32 to index
      %get3A_217 = arith.constant 112 : index
      %get3A_218 = tpu.vector_load %arg6[%get3A_216, %get3A_217] {strides = array<i32>} : memref<80x128xf32, #tpu.memory_space<vmem>>, vector<16xf32>,
      %mul3A_219 = arith.mulf %gather3A_215, %get3A_218 : vector<16xf32>
      %swap3A_220 = arith.index_cast %scan3A_136 : i32 to index
      %swap3A_221 = arith.constant 112 : index
      %swap3A_222 = tpu.vector_load %arg7[%swap3A_220, %swap3A_221] {strides = array<i32>} : memref<80x128xf32, #tpu.memory_space<vmem>>, vector<16xf32>,
      tpu.vector_store %arg7[%swap3A_220, %swap3A_221], %mul3A_219 {strides = array<i32>} : memref<80x128xf32, #tpu.memory_space<vmem>>, vector<16xf32>,
      %dma_start3A = arith.constant 0 : i32
      %dma_start3A_223 = tpu.memref_slice %arg7[%scan3A_136, %dma_start3A] : memref<80x128xf32, #tpu.memory_space<vmem>> -> memref<1x128xf32, #tpu.memory_space<vmem>>
      %dma_start3A_224 = tpu.memref_squeeze %dma_start3A_223 : memref<1x128xf32, #tpu.memory_space<vmem>> -> memref<128xf32, #tpu.memory_space<vmem>>
      %dma_start3A_225 = arith.constant 0 : i32
      %dma_start3A_226 = tpu.memref_slice %arg4[%scan3A_136, %dma_start3A_225] : memref<80x128xi32, #tpu.memory_space<vmem>> -> memref<1x128xi32, #tpu.memory_space<vmem>>
      %dma_start3A_227 = tpu.memref_squeeze %dma_start3A_226 : memref<1x128xi32, #tpu.memory_space<vmem>> -> memref<128xi32, #tpu.memory_space<vmem>>
      %dma_start3A_228 = arith.constant 0 : i32
      %dma_start3A_229 = tpu.memref_slice %arg10[%dma_start3A_228] : memref<10240xf32, #tpu.memory_space<vmem_shared>> -> memref<10240xf32, #tpu.memory_space<vmem_shared>>
      tpu.enqueue_indirect_dma source(%dma_start3A_224 : memref<128xf32, #tpu.memory_space<vmem>>) target(%dma_start3A_229 : memref<10240xf32, #tpu.memory_space<vmem_shared>>) offsets(%dma_start3A_227 : memref<128xi32, #tpu.memory_space<vmem>>) semaphore(%arg12 : memref<!tpu.dma_semaphore, #tpu.memory_space<semaphore_mem>>) {add = true}
    }
    %scan3A_107 = arith.constant 80 : i32
    tpu.wait_dma2 semaphore(%arg12 : memref<!tpu.dma_semaphore, #tpu.memory_space<semaphore_mem>>) src(%arg8 : memref<10240xf32, #tpu.memory_space<vmem>>) dst(%arg10 : memref<10240xf32, #tpu.memory_space<vmem_shared>>)
    %barrier3A_108 = arith.constant 0 : index
    tpu.barrier barrier_id(%barrier3A_108)
    "tpu.region"() ({
      %run_scoped3A = tpu.sem_alloc : memref<!tpu.dma_semaphore, #tpu.memory_space<semaphore_mem>>
      tpu.enqueue_dma source(%arg10 : memref<10240xf32, #tpu.memory_space<vmem_shared>>) target(%arg8 : memref<10240xf32, #tpu.memory_space<vmem>>) target_semaphore(%run_scoped3A : memref<!tpu.dma_semaphore, #tpu.memory_space<semaphore_mem>>)
      tpu.wait_dma2 semaphore(%run_scoped3A : memref<!tpu.dma_semaphore, #tpu.memory_space<semaphore_mem>>) src(%arg10 : memref<10240xf32, #tpu.memory_space<vmem_shared>>) dst(%arg8 : memref<10240xf32, #tpu.memory_space<vmem>>)
      tpu.yield
    }) : () -> ()
    %scan3A_109 = arith.constant 0 : i32
    %scan3A_110 = arith.constant 40 : i32
    %scan3A_111 = arith.addi %scan3A_109, %scan3A_110 : i32
    %scan3A_112 = arith.constant 1 : i32
    scf.for %scan3A_136 = %scan3A_109 to %scan3A_111 step %scan3A_112  : i32 {
      %mul3A_137 = arith.constant 16 : i32
      %mul3A_138 = arith.muli %scan3A_136, %mul3A_137 : i32
      %swap3A_139 = arith.index_cast %mul3A_138 : i32 to index
      %swap3A_140 = tpu.vector_load %arg9[%swap3A_139] {strides = array<i32>} : memref<640xf32, #tpu.memory_space<vmem>>, vector<16xf32>,
      tpu.vector_store %arg9[%swap3A_139], %broadcast_in_dim3A_24 {strides = array<i32>} : memref<640xf32, #tpu.memory_space<vmem>>, vector<16xf32>,
    }
    %scan3A_113 = arith.constant 40 : i32
    "tpu.region"() ({
      %run_scoped3A = tpu.sem_alloc : memref<!tpu.dma_semaphore, #tpu.memory_space<semaphore_mem>>
      %dma_start3A = tpu.memref_slice %arg11[%mul3A_0] : memref<10240xf32, #tpu.memory_space<vmem_shared>> -> memref<640xf32, #tpu.memory_space<vmem_shared>>
      %dma_start3A_136 = tpu.memref_slice %arg11[%mul3A_0] : memref<10240xf32, #tpu.memory_space<vmem_shared>> -> memref<640xf32, #tpu.memory_space<vmem_shared>>
      tpu.enqueue_dma source(%arg9 : memref<640xf32, #tpu.memory_space<vmem>>) target(%dma_start3A_136 : memref<640xf32, #tpu.memory_space<vmem_shared>>) target_semaphore(%run_scoped3A : memref<!tpu.dma_semaphore, #tpu.memory_space<semaphore_mem>>)
      %dma_wait3A = tpu.memref_slice %arg11[%mul3A_0] : memref<10240xf32, #tpu.memory_space<vmem_shared>> -> memref<640xf32, #tpu.memory_space<vmem_shared>>
      %dma_wait3A_137 = tpu.memref_slice %arg11[%mul3A_0] : memref<10240xf32, #tpu.memory_space<vmem_shared>> -> memref<640xf32, #tpu.memory_space<vmem_shared>>
      tpu.wait_dma2 semaphore(%run_scoped3A : memref<!tpu.dma_semaphore, #tpu.memory_space<semaphore_mem>>) src(%arg9 : memref<640xf32, #tpu.memory_space<vmem>>) dst(%dma_wait3A_137 : memref<640xf32, #tpu.memory_space<vmem_shared>>)
      tpu.yield
    }) : () -> ()
    %barrier3A_114 = arith.constant 0 : index
    tpu.barrier barrier_id(%barrier3A_114)
    %scan3A_115 = arith.constant 0 : i32
    %scan3A_116 = arith.constant 80 : i32
    %scan3A_117 = arith.addi %scan3A_115, %scan3A_116 : i32
    %scan3A_118 = arith.constant 1 : i32
    scf.for %scan3A_136 = %scan3A_115 to %scan3A_117 step %scan3A_118  : i32 {
      %get3A = arith.index_cast %scan3A_136 : i32 to index
      %get3A_137 = arith.constant 0 : index
      %get3A_138 = tpu.vector_load %arg5[%get3A, %get3A_137] {strides = array<i32>} : memref<80x128xi32, #tpu.memory_space<vmem>>, vector<16xi32>,
      %gather3A = tpu.vector_load_idx %arg8[%get3A_138] : memref<10240xf32, #tpu.memory_space<vmem>>[vector<16xi32>], vector<16xf32>,
      %get3A_139 = arith.index_cast %scan3A_136 : i32 to index
      %get3A_140 = arith.constant 0 : index
      %get3A_141 = tpu.vector_load %arg6[%get3A_139, %get3A_140] {strides = array<i32>} : memref<80x128xf32, #tpu.memory_space<vmem>>, vector<16xf32>,
      %mul3A_142 = arith.mulf %gather3A, %get3A_141 : vector<16xf32>
      %swap3A_143 = arith.index_cast %scan3A_136 : i32 to index
      %swap3A_144 = arith.constant 0 : index
      %swap3A_145 = tpu.vector_load %arg7[%swap3A_143, %swap3A_144] {strides = array<i32>} : memref<80x128xf32, #tpu.memory_space<vmem>>, vector<16xf32>,
      tpu.vector_store %arg7[%swap3A_143, %swap3A_144], %mul3A_142 {strides = array<i32>} : memref<80x128xf32, #tpu.memory_space<vmem>>, vector<16xf32>,
      %get3A_146 = arith.index_cast %scan3A_136 : i32 to index
      %get3A_147 = arith.constant 16 : index
      %get3A_148 = tpu.vector_load %arg5[%get3A_146, %get3A_147] {strides = array<i32>} : memref<80x128xi32, #tpu.memory_space<vmem>>, vector<16xi32>,
      %gather3A_149 = tpu.vector_load_idx %arg8[%get3A_148] : memref<10240xf32, #tpu.memory_space<vmem>>[vector<16xi32>], vector<16xf32>,
      %get3A_150 = arith.index_cast %scan3A_136 : i32 to index
      %get3A_151 = arith.constant 16 : index
      %get3A_152 = tpu.vector_load %arg6[%get3A_150, %get3A_151] {strides = array<i32>} : memref<80x128xf32, #tpu.memory_space<vmem>>, vector<16xf32>,
      %mul3A_153 = arith.mulf %gather3A_149, %get3A_152 : vector<16xf32>
      %swap3A_154 = arith.index_cast %scan3A_136 : i32 to index
      %swap3A_155 = arith.constant 16 : index
      %swap3A_156 = tpu.vector_load %arg7[%swap3A_154, %swap3A_155] {strides = array<i32>} : memref<80x128xf32, #tpu.memory_space<vmem>>, vector<16xf32>,
      tpu.vector_store %arg7[%swap3A_154, %swap3A_155], %mul3A_153 {strides = array<i32>} : memref<80x128xf32, #tpu.memory_space<vmem>>, vector<16xf32>,
      %get3A_157 = arith.index_cast %scan3A_136 : i32 to index
      %get3A_158 = arith.constant 32 : index
      %get3A_159 = tpu.vector_load %arg5[%get3A_157, %get3A_158] {strides = array<i32>} : memref<80x128xi32, #tpu.memory_space<vmem>>, vector<16xi32>,
      %gather3A_160 = tpu.vector_load_idx %arg8[%get3A_159] : memref<10240xf32, #tpu.memory_space<vmem>>[vector<16xi32>], vector<16xf32>,
      %get3A_161 = arith.index_cast %scan3A_136 : i32 to index
      %get3A_162 = arith.constant 32 : index
      %get3A_163 = tpu.vector_load %arg6[%get3A_161, %get3A_162] {strides = array<i32>} : memref<80x128xf32, #tpu.memory_space<vmem>>, vector<16xf32>,
      %mul3A_164 = arith.mulf %gather3A_160, %get3A_163 : vector<16xf32>
      %swap3A_165 = arith.index_cast %scan3A_136 : i32 to index
      %swap3A_166 = arith.constant 32 : index
      %swap3A_167 = tpu.vector_load %arg7[%swap3A_165, %swap3A_166] {strides = array<i32>} : memref<80x128xf32, #tpu.memory_space<vmem>>, vector<16xf32>,
      tpu.vector_store %arg7[%swap3A_165, %swap3A_166], %mul3A_164 {strides = array<i32>} : memref<80x128xf32, #tpu.memory_space<vmem>>, vector<16xf32>,
      %get3A_168 = arith.index_cast %scan3A_136 : i32 to index
      %get3A_169 = arith.constant 48 : index
      %get3A_170 = tpu.vector_load %arg5[%get3A_168, %get3A_169] {strides = array<i32>} : memref<80x128xi32, #tpu.memory_space<vmem>>, vector<16xi32>,
      %gather3A_171 = tpu.vector_load_idx %arg8[%get3A_170] : memref<10240xf32, #tpu.memory_space<vmem>>[vector<16xi32>], vector<16xf32>,
      %get3A_172 = arith.index_cast %scan3A_136 : i32 to index
      %get3A_173 = arith.constant 48 : index
      %get3A_174 = tpu.vector_load %arg6[%get3A_172, %get3A_173] {strides = array<i32>} : memref<80x128xf32, #tpu.memory_space<vmem>>, vector<16xf32>,
      %mul3A_175 = arith.mulf %gather3A_171, %get3A_174 : vector<16xf32>
      %swap3A_176 = arith.index_cast %scan3A_136 : i32 to index
      %swap3A_177 = arith.constant 48 : index
      %swap3A_178 = tpu.vector_load %arg7[%swap3A_176, %swap3A_177] {strides = array<i32>} : memref<80x128xf32, #tpu.memory_space<vmem>>, vector<16xf32>,
      tpu.vector_store %arg7[%swap3A_176, %swap3A_177], %mul3A_175 {strides = array<i32>} : memref<80x128xf32, #tpu.memory_space<vmem>>, vector<16xf32>,
      %get3A_179 = arith.index_cast %scan3A_136 : i32 to index
      %get3A_180 = arith.constant 64 : index
      %get3A_181 = tpu.vector_load %arg5[%get3A_179, %get3A_180] {strides = array<i32>} : memref<80x128xi32, #tpu.memory_space<vmem>>, vector<16xi32>,
      %gather3A_182 = tpu.vector_load_idx %arg8[%get3A_181] : memref<10240xf32, #tpu.memory_space<vmem>>[vector<16xi32>], vector<16xf32>,
      %get3A_183 = arith.index_cast %scan3A_136 : i32 to index
      %get3A_184 = arith.constant 64 : index
      %get3A_185 = tpu.vector_load %arg6[%get3A_183, %get3A_184] {strides = array<i32>} : memref<80x128xf32, #tpu.memory_space<vmem>>, vector<16xf32>,
      %mul3A_186 = arith.mulf %gather3A_182, %get3A_185 : vector<16xf32>
      %swap3A_187 = arith.index_cast %scan3A_136 : i32 to index
      %swap3A_188 = arith.constant 64 : index
      %swap3A_189 = tpu.vector_load %arg7[%swap3A_187, %swap3A_188] {strides = array<i32>} : memref<80x128xf32, #tpu.memory_space<vmem>>, vector<16xf32>,
      tpu.vector_store %arg7[%swap3A_187, %swap3A_188], %mul3A_186 {strides = array<i32>} : memref<80x128xf32, #tpu.memory_space<vmem>>, vector<16xf32>,
      %get3A_190 = arith.index_cast %scan3A_136 : i32 to index
      %get3A_191 = arith.constant 80 : index
      %get3A_192 = tpu.vector_load %arg5[%get3A_190, %get3A_191] {strides = array<i32>} : memref<80x128xi32, #tpu.memory_space<vmem>>, vector<16xi32>,
      %gather3A_193 = tpu.vector_load_idx %arg8[%get3A_192] : memref<10240xf32, #tpu.memory_space<vmem>>[vector<16xi32>], vector<16xf32>,
      %get3A_194 = arith.index_cast %scan3A_136 : i32 to index
      %get3A_195 = arith.constant 80 : index
      %get3A_196 = tpu.vector_load %arg6[%get3A_194, %get3A_195] {strides = array<i32>} : memref<80x128xf32, #tpu.memory_space<vmem>>, vector<16xf32>,
      %mul3A_197 = arith.mulf %gather3A_193, %get3A_196 : vector<16xf32>
      %swap3A_198 = arith.index_cast %scan3A_136 : i32 to index
      %swap3A_199 = arith.constant 80 : index
      %swap3A_200 = tpu.vector_load %arg7[%swap3A_198, %swap3A_199] {strides = array<i32>} : memref<80x128xf32, #tpu.memory_space<vmem>>, vector<16xf32>,
      tpu.vector_store %arg7[%swap3A_198, %swap3A_199], %mul3A_197 {strides = array<i32>} : memref<80x128xf32, #tpu.memory_space<vmem>>, vector<16xf32>,
      %get3A_201 = arith.index_cast %scan3A_136 : i32 to index
      %get3A_202 = arith.constant 96 : index
      %get3A_203 = tpu.vector_load %arg5[%get3A_201, %get3A_202] {strides = array<i32>} : memref<80x128xi32, #tpu.memory_space<vmem>>, vector<16xi32>,
      %gather3A_204 = tpu.vector_load_idx %arg8[%get3A_203] : memref<10240xf32, #tpu.memory_space<vmem>>[vector<16xi32>], vector<16xf32>,
      %get3A_205 = arith.index_cast %scan3A_136 : i32 to index
      %get3A_206 = arith.constant 96 : index
      %get3A_207 = tpu.vector_load %arg6[%get3A_205, %get3A_206] {strides = array<i32>} : memref<80x128xf32, #tpu.memory_space<vmem>>, vector<16xf32>,
      %mul3A_208 = arith.mulf %gather3A_204, %get3A_207 : vector<16xf32>
      %swap3A_209 = arith.index_cast %scan3A_136 : i32 to index
      %swap3A_210 = arith.constant 96 : index
      %swap3A_211 = tpu.vector_load %arg7[%swap3A_209, %swap3A_210] {strides = array<i32>} : memref<80x128xf32, #tpu.memory_space<vmem>>, vector<16xf32>,
      tpu.vector_store %arg7[%swap3A_209, %swap3A_210], %mul3A_208 {strides = array<i32>} : memref<80x128xf32, #tpu.memory_space<vmem>>, vector<16xf32>,
      %get3A_212 = arith.index_cast %scan3A_136 : i32 to index
      %get3A_213 = arith.constant 112 : index
      %get3A_214 = tpu.vector_load %arg5[%get3A_212, %get3A_213] {strides = array<i32>} : memref<80x128xi32, #tpu.memory_space<vmem>>, vector<16xi32>,
      %gather3A_215 = tpu.vector_load_idx %arg8[%get3A_214] : memref<10240xf32, #tpu.memory_space<vmem>>[vector<16xi32>], vector<16xf32>,
      %get3A_216 = arith.index_cast %scan3A_136 : i32 to index
      %get3A_217 = arith.constant 112 : index
      %get3A_218 = tpu.vector_load %arg6[%get3A_216, %get3A_217] {strides = array<i32>} : memref<80x128xf32, #tpu.memory_space<vmem>>, vector<16xf32>,
      %mul3A_219 = arith.mulf %gather3A_215, %get3A_218 : vector<16xf32>
      %swap3A_220 = arith.index_cast %scan3A_136 : i32 to index
      %swap3A_221 = arith.constant 112 : index
      %swap3A_222 = tpu.vector_load %arg7[%swap3A_220, %swap3A_221] {strides = array<i32>} : memref<80x128xf32, #tpu.memory_space<vmem>>, vector<16xf32>,
      tpu.vector_store %arg7[%swap3A_220, %swap3A_221], %mul3A_219 {strides = array<i32>} : memref<80x128xf32, #tpu.memory_space<vmem>>, vector<16xf32>,
      %dma_start3A = arith.constant 0 : i32
      %dma_start3A_223 = tpu.memref_slice %arg7[%scan3A_136, %dma_start3A] : memref<80x128xf32, #tpu.memory_space<vmem>> -> memref<1x128xf32, #tpu.memory_space<vmem>>
      %dma_start3A_224 = tpu.memref_squeeze %dma_start3A_223 : memref<1x128xf32, #tpu.memory_space<vmem>> -> memref<128xf32, #tpu.memory_space<vmem>>
      %dma_start3A_225 = arith.constant 0 : i32
      %dma_start3A_226 = tpu.memref_slice %arg4[%scan3A_136, %dma_start3A_225] : memref<80x128xi32, #tpu.memory_space<vmem>> -> memref<1x128xi32, #tpu.memory_space<vmem>>
      %dma_start3A_227 = tpu.memref_squeeze %dma_start3A_226 : memref<1x128xi32, #tpu.memory_space<vmem>> -> memref<128xi32, #tpu.memory_space<vmem>>
      %dma_start3A_228 = arith.constant 0 : i32
      %dma_start3A_229 = tpu.memref_slice %arg11[%dma_start3A_228] : memref<10240xf32, #tpu.memory_space<vmem_shared>> -> memref<10240xf32, #tpu.memory_space<vmem_shared>>
      tpu.enqueue_indirect_dma source(%dma_start3A_224 : memref<128xf32, #tpu.memory_space<vmem>>) target(%dma_start3A_229 : memref<10240xf32, #tpu.memory_space<vmem_shared>>) offsets(%dma_start3A_227 : memref<128xi32, #tpu.memory_space<vmem>>) semaphore(%arg12 : memref<!tpu.dma_semaphore, #tpu.memory_space<semaphore_mem>>) {add = true}
    }
    %scan3A_119 = arith.constant 80 : i32
    tpu.wait_dma2 semaphore(%arg12 : memref<!tpu.dma_semaphore, #tpu.memory_space<semaphore_mem>>) src(%arg8 : memref<10240xf32, #tpu.memory_space<vmem>>) dst(%arg11 : memref<10240xf32, #tpu.memory_space<vmem_shared>>)
    %barrier3A_120 = arith.constant 0 : index
    tpu.barrier barrier_id(%barrier3A_120)
    "tpu.region"() ({
      %run_scoped3A = tpu.sem_alloc : memref<!tpu.dma_semaphore, #tpu.memory_space<semaphore_mem>>
      tpu.enqueue_dma source(%arg11 : memref<10240xf32, #tpu.memory_space<vmem_shared>>) target(%arg8 : memref<10240xf32, #tpu.memory_space<vmem>>) target_semaphore(%run_scoped3A : memref<!tpu.dma_semaphore, #tpu.memory_space<semaphore_mem>>)
      tpu.wait_dma2 semaphore(%run_scoped3A : memref<!tpu.dma_semaphore, #tpu.memory_space<semaphore_mem>>) src(%arg11 : memref<10240xf32, #tpu.memory_space<vmem_shared>>) dst(%arg8 : memref<10240xf32, #tpu.memory_space<vmem>>)
      tpu.yield
    }) : () -> ()
    %scan3A_121 = arith.constant 0 : i32
    %scan3A_122 = arith.constant 40 : i32
    %scan3A_123 = arith.addi %scan3A_121, %scan3A_122 : i32
    %scan3A_124 = arith.constant 1 : i32
    scf.for %scan3A_136 = %scan3A_121 to %scan3A_123 step %scan3A_124  : i32 {
      %mul3A_137 = arith.constant 16 : i32
      %mul3A_138 = arith.muli %scan3A_136, %mul3A_137 : i32
      %swap3A_139 = arith.index_cast %mul3A_138 : i32 to index
      %swap3A_140 = tpu.vector_load %arg9[%swap3A_139] {strides = array<i32>} : memref<640xf32, #tpu.memory_space<vmem>>, vector<16xf32>,
      tpu.vector_store %arg9[%swap3A_139], %broadcast_in_dim3A_24 {strides = array<i32>} : memref<640xf32, #tpu.memory_space<vmem>>, vector<16xf32>,
    }
    %scan3A_125 = arith.constant 40 : i32
    "tpu.region"() ({
      %run_scoped3A = tpu.sem_alloc : memref<!tpu.dma_semaphore, #tpu.memory_space<semaphore_mem>>
      %dma_start3A = tpu.memref_slice %arg10[%mul3A_0] : memref<10240xf32, #tpu.memory_space<vmem_shared>> -> memref<640xf32, #tpu.memory_space<vmem_shared>>
      %dma_start3A_136 = tpu.memref_slice %arg10[%mul3A_0] : memref<10240xf32, #tpu.memory_space<vmem_shared>> -> memref<640xf32, #tpu.memory_space<vmem_shared>>
      tpu.enqueue_dma source(%arg9 : memref<640xf32, #tpu.memory_space<vmem>>) target(%dma_start3A_136 : memref<640xf32, #tpu.memory_space<vmem_shared>>) target_semaphore(%run_scoped3A : memref<!tpu.dma_semaphore, #tpu.memory_space<semaphore_mem>>)
      %dma_wait3A = tpu.memref_slice %arg10[%mul3A_0] : memref<10240xf32, #tpu.memory_space<vmem_shared>> -> memref<640xf32, #tpu.memory_space<vmem_shared>>
      %dma_wait3A_137 = tpu.memref_slice %arg10[%mul3A_0] : memref<10240xf32, #tpu.memory_space<vmem_shared>> -> memref<640xf32, #tpu.memory_space<vmem_shared>>
      tpu.wait_dma2 semaphore(%run_scoped3A : memref<!tpu.dma_semaphore, #tpu.memory_space<semaphore_mem>>) src(%arg9 : memref<640xf32, #tpu.memory_space<vmem>>) dst(%dma_wait3A_137 : memref<640xf32, #tpu.memory_space<vmem_shared>>)
      tpu.yield
    }) : () -> ()
    %barrier3A_126 = arith.constant 0 : index
    tpu.barrier barrier_id(%barrier3A_126)
    %scan3A_127 = arith.constant 0 : i32
    %scan3A_128 = arith.constant 80 : i32
    %scan3A_129 = arith.addi %scan3A_127, %scan3A_128 : i32
    %scan3A_130 = arith.constant 1 : i32
    scf.for %scan3A_136 = %scan3A_127 to %scan3A_129 step %scan3A_130  : i32 {
      %get3A = arith.index_cast %scan3A_136 : i32 to index
      %get3A_137 = arith.constant 0 : index
      %get3A_138 = tpu.vector_load %arg5[%get3A, %get3A_137] {strides = array<i32>} : memref<80x128xi32, #tpu.memory_space<vmem>>, vector<16xi32>,
      %gather3A = tpu.vector_load_idx %arg8[%get3A_138] : memref<10240xf32, #tpu.memory_space<vmem>>[vector<16xi32>], vector<16xf32>,
      %get3A_139 = arith.index_cast %scan3A_136 : i32 to index
      %get3A_140 = arith.constant 0 : index
      %get3A_141 = tpu.vector_load %arg6[%get3A_139, %get3A_140] {strides = array<i32>} : memref<80x128xf32, #tpu.memory_space<vmem>>, vector<16xf32>,
      %mul3A_142 = arith.mulf %gather3A, %get3A_141 : vector<16xf32>
      %swap3A_143 = arith.index_cast %scan3A_136 : i32 to index
      %swap3A_144 = arith.constant 0 : index
      %swap3A_145 = tpu.vector_load %arg7[%swap3A_143, %swap3A_144] {strides = array<i32>} : memref<80x128xf32, #tpu.memory_space<vmem>>, vector<16xf32>,
      tpu.vector_store %arg7[%swap3A_143, %swap3A_144], %mul3A_142 {strides = array<i32>} : memref<80x128xf32, #tpu.memory_space<vmem>>, vector<16xf32>,
      %get3A_146 = arith.index_cast %scan3A_136 : i32 to index
      %get3A_147 = arith.constant 16 : index
      %get3A_148 = tpu.vector_load %arg5[%get3A_146, %get3A_147] {strides = array<i32>} : memref<80x128xi32, #tpu.memory_space<vmem>>, vector<16xi32>,
      %gather3A_149 = tpu.vector_load_idx %arg8[%get3A_148] : memref<10240xf32, #tpu.memory_space<vmem>>[vector<16xi32>], vector<16xf32>,
      %get3A_150 = arith.index_cast %scan3A_136 : i32 to index
      %get3A_151 = arith.constant 16 : index
      %get3A_152 = tpu.vector_load %arg6[%get3A_150, %get3A_151] {strides = array<i32>} : memref<80x128xf32, #tpu.memory_space<vmem>>, vector<16xf32>,
      %mul3A_153 = arith.mulf %gather3A_149, %get3A_152 : vector<16xf32>
      %swap3A_154 = arith.index_cast %scan3A_136 : i32 to index
      %swap3A_155 = arith.constant 16 : index
      %swap3A_156 = tpu.vector_load %arg7[%swap3A_154, %swap3A_155] {strides = array<i32>} : memref<80x128xf32, #tpu.memory_space<vmem>>, vector<16xf32>,
      tpu.vector_store %arg7[%swap3A_154, %swap3A_155], %mul3A_153 {strides = array<i32>} : memref<80x128xf32, #tpu.memory_space<vmem>>, vector<16xf32>,
      %get3A_157 = arith.index_cast %scan3A_136 : i32 to index
      %get3A_158 = arith.constant 32 : index
      %get3A_159 = tpu.vector_load %arg5[%get3A_157, %get3A_158] {strides = array<i32>} : memref<80x128xi32, #tpu.memory_space<vmem>>, vector<16xi32>,
      %gather3A_160 = tpu.vector_load_idx %arg8[%get3A_159] : memref<10240xf32, #tpu.memory_space<vmem>>[vector<16xi32>], vector<16xf32>,
      %get3A_161 = arith.index_cast %scan3A_136 : i32 to index
      %get3A_162 = arith.constant 32 : index
      %get3A_163 = tpu.vector_load %arg6[%get3A_161, %get3A_162] {strides = array<i32>} : memref<80x128xf32, #tpu.memory_space<vmem>>, vector<16xf32>,
      %mul3A_164 = arith.mulf %gather3A_160, %get3A_163 : vector<16xf32>
      %swap3A_165 = arith.index_cast %scan3A_136 : i32 to index
      %swap3A_166 = arith.constant 32 : index
      %swap3A_167 = tpu.vector_load %arg7[%swap3A_165, %swap3A_166] {strides = array<i32>} : memref<80x128xf32, #tpu.memory_space<vmem>>, vector<16xf32>,
      tpu.vector_store %arg7[%swap3A_165, %swap3A_166], %mul3A_164 {strides = array<i32>} : memref<80x128xf32, #tpu.memory_space<vmem>>, vector<16xf32>,
      %get3A_168 = arith.index_cast %scan3A_136 : i32 to index
      %get3A_169 = arith.constant 48 : index
      %get3A_170 = tpu.vector_load %arg5[%get3A_168, %get3A_169] {strides = array<i32>} : memref<80x128xi32, #tpu.memory_space<vmem>>, vector<16xi32>,
      %gather3A_171 = tpu.vector_load_idx %arg8[%get3A_170] : memref<10240xf32, #tpu.memory_space<vmem>>[vector<16xi32>], vector<16xf32>,
      %get3A_172 = arith.index_cast %scan3A_136 : i32 to index
      %get3A_173 = arith.constant 48 : index
      %get3A_174 = tpu.vector_load %arg6[%get3A_172, %get3A_173] {strides = array<i32>} : memref<80x128xf32, #tpu.memory_space<vmem>>, vector<16xf32>,
      %mul3A_175 = arith.mulf %gather3A_171, %get3A_174 : vector<16xf32>
      %swap3A_176 = arith.index_cast %scan3A_136 : i32 to index
      %swap3A_177 = arith.constant 48 : index
      %swap3A_178 = tpu.vector_load %arg7[%swap3A_176, %swap3A_177] {strides = array<i32>} : memref<80x128xf32, #tpu.memory_space<vmem>>, vector<16xf32>,
      tpu.vector_store %arg7[%swap3A_176, %swap3A_177], %mul3A_175 {strides = array<i32>} : memref<80x128xf32, #tpu.memory_space<vmem>>, vector<16xf32>,
      %get3A_179 = arith.index_cast %scan3A_136 : i32 to index
      %get3A_180 = arith.constant 64 : index
      %get3A_181 = tpu.vector_load %arg5[%get3A_179, %get3A_180] {strides = array<i32>} : memref<80x128xi32, #tpu.memory_space<vmem>>, vector<16xi32>,
      %gather3A_182 = tpu.vector_load_idx %arg8[%get3A_181] : memref<10240xf32, #tpu.memory_space<vmem>>[vector<16xi32>], vector<16xf32>,
      %get3A_183 = arith.index_cast %scan3A_136 : i32 to index
      %get3A_184 = arith.constant 64 : index
      %get3A_185 = tpu.vector_load %arg6[%get3A_183, %get3A_184] {strides = array<i32>} : memref<80x128xf32, #tpu.memory_space<vmem>>, vector<16xf32>,
      %mul3A_186 = arith.mulf %gather3A_182, %get3A_185 : vector<16xf32>
      %swap3A_187 = arith.index_cast %scan3A_136 : i32 to index
      %swap3A_188 = arith.constant 64 : index
      %swap3A_189 = tpu.vector_load %arg7[%swap3A_187, %swap3A_188] {strides = array<i32>} : memref<80x128xf32, #tpu.memory_space<vmem>>, vector<16xf32>,
      tpu.vector_store %arg7[%swap3A_187, %swap3A_188], %mul3A_186 {strides = array<i32>} : memref<80x128xf32, #tpu.memory_space<vmem>>, vector<16xf32>,
      %get3A_190 = arith.index_cast %scan3A_136 : i32 to index
      %get3A_191 = arith.constant 80 : index
      %get3A_192 = tpu.vector_load %arg5[%get3A_190, %get3A_191] {strides = array<i32>} : memref<80x128xi32, #tpu.memory_space<vmem>>, vector<16xi32>,
      %gather3A_193 = tpu.vector_load_idx %arg8[%get3A_192] : memref<10240xf32, #tpu.memory_space<vmem>>[vector<16xi32>], vector<16xf32>,
      %get3A_194 = arith.index_cast %scan3A_136 : i32 to index
      %get3A_195 = arith.constant 80 : index
      %get3A_196 = tpu.vector_load %arg6[%get3A_194, %get3A_195] {strides = array<i32>} : memref<80x128xf32, #tpu.memory_space<vmem>>, vector<16xf32>,
      %mul3A_197 = arith.mulf %gather3A_193, %get3A_196 : vector<16xf32>
      %swap3A_198 = arith.index_cast %scan3A_136 : i32 to index
      %swap3A_199 = arith.constant 80 : index
      %swap3A_200 = tpu.vector_load %arg7[%swap3A_198, %swap3A_199] {strides = array<i32>} : memref<80x128xf32, #tpu.memory_space<vmem>>, vector<16xf32>,
      tpu.vector_store %arg7[%swap3A_198, %swap3A_199], %mul3A_197 {strides = array<i32>} : memref<80x128xf32, #tpu.memory_space<vmem>>, vector<16xf32>,
      %get3A_201 = arith.index_cast %scan3A_136 : i32 to index
      %get3A_202 = arith.constant 96 : index
      %get3A_203 = tpu.vector_load %arg5[%get3A_201, %get3A_202] {strides = array<i32>} : memref<80x128xi32, #tpu.memory_space<vmem>>, vector<16xi32>,
      %gather3A_204 = tpu.vector_load_idx %arg8[%get3A_203] : memref<10240xf32, #tpu.memory_space<vmem>>[vector<16xi32>], vector<16xf32>,
      %get3A_205 = arith.index_cast %scan3A_136 : i32 to index
      %get3A_206 = arith.constant 96 : index
      %get3A_207 = tpu.vector_load %arg6[%get3A_205, %get3A_206] {strides = array<i32>} : memref<80x128xf32, #tpu.memory_space<vmem>>, vector<16xf32>,
      %mul3A_208 = arith.mulf %gather3A_204, %get3A_207 : vector<16xf32>
      %swap3A_209 = arith.index_cast %scan3A_136 : i32 to index
      %swap3A_210 = arith.constant 96 : index
      %swap3A_211 = tpu.vector_load %arg7[%swap3A_209, %swap3A_210] {strides = array<i32>} : memref<80x128xf32, #tpu.memory_space<vmem>>, vector<16xf32>,
      tpu.vector_store %arg7[%swap3A_209, %swap3A_210], %mul3A_208 {strides = array<i32>} : memref<80x128xf32, #tpu.memory_space<vmem>>, vector<16xf32>,
      %get3A_212 = arith.index_cast %scan3A_136 : i32 to index
      %get3A_213 = arith.constant 112 : index
      %get3A_214 = tpu.vector_load %arg5[%get3A_212, %get3A_213] {strides = array<i32>} : memref<80x128xi32, #tpu.memory_space<vmem>>, vector<16xi32>,
      %gather3A_215 = tpu.vector_load_idx %arg8[%get3A_214] : memref<10240xf32, #tpu.memory_space<vmem>>[vector<16xi32>], vector<16xf32>,
      %get3A_216 = arith.index_cast %scan3A_136 : i32 to index
      %get3A_217 = arith.constant 112 : index
      %get3A_218 = tpu.vector_load %arg6[%get3A_216, %get3A_217] {strides = array<i32>} : memref<80x128xf32, #tpu.memory_space<vmem>>, vector<16xf32>,
      %mul3A_219 = arith.mulf %gather3A_215, %get3A_218 : vector<16xf32>
      %swap3A_220 = arith.index_cast %scan3A_136 : i32 to index
      %swap3A_221 = arith.constant 112 : index
      %swap3A_222 = tpu.vector_load %arg7[%swap3A_220, %swap3A_221] {strides = array<i32>} : memref<80x128xf32, #tpu.memory_space<vmem>>, vector<16xf32>,
      tpu.vector_store %arg7[%swap3A_220, %swap3A_221], %mul3A_219 {strides = array<i32>} : memref<80x128xf32, #tpu.memory_space<vmem>>, vector<16xf32>,
      %dma_start3A = arith.constant 0 : i32
      %dma_start3A_223 = tpu.memref_slice %arg7[%scan3A_136, %dma_start3A] : memref<80x128xf32, #tpu.memory_space<vmem>> -> memref<1x128xf32, #tpu.memory_space<vmem>>
      %dma_start3A_224 = tpu.memref_squeeze %dma_start3A_223 : memref<1x128xf32, #tpu.memory_space<vmem>> -> memref<128xf32, #tpu.memory_space<vmem>>
      %dma_start3A_225 = arith.constant 0 : i32
      %dma_start3A_226 = tpu.memref_slice %arg4[%scan3A_136, %dma_start3A_225] : memref<80x128xi32, #tpu.memory_space<vmem>> -> memref<1x128xi32, #tpu.memory_space<vmem>>
      %dma_start3A_227 = tpu.memref_squeeze %dma_start3A_226 : memref<1x128xi32, #tpu.memory_space<vmem>> -> memref<128xi32, #tpu.memory_space<vmem>>
      %dma_start3A_228 = arith.constant 0 : i32
      %dma_start3A_229 = tpu.memref_slice %arg10[%dma_start3A_228] : memref<10240xf32, #tpu.memory_space<vmem_shared>> -> memref<10240xf32, #tpu.memory_space<vmem_shared>>
      tpu.enqueue_indirect_dma source(%dma_start3A_224 : memref<128xf32, #tpu.memory_space<vmem>>) target(%dma_start3A_229 : memref<10240xf32, #tpu.memory_space<vmem_shared>>) offsets(%dma_start3A_227 : memref<128xi32, #tpu.memory_space<vmem>>) semaphore(%arg12 : memref<!tpu.dma_semaphore, #tpu.memory_space<semaphore_mem>>) {add = true}
    }
    %scan3A_131 = arith.constant 80 : i32
    tpu.wait_dma2 semaphore(%arg12 : memref<!tpu.dma_semaphore, #tpu.memory_space<semaphore_mem>>) src(%arg8 : memref<10240xf32, #tpu.memory_space<vmem>>) dst(%arg10 : memref<10240xf32, #tpu.memory_space<vmem_shared>>)
    %barrier3A_132 = arith.constant 0 : index
    tpu.barrier barrier_id(%barrier3A_132)
    "tpu.region"() ({
      %run_scoped3A = tpu.sem_alloc : memref<!tpu.dma_semaphore, #tpu.memory_space<semaphore_mem>>
      %dma_start3A = tpu.memref_slice %arg10[%mul3A_0] : memref<10240xf32, #tpu.memory_space<vmem_shared>> -> memref<640xf32, #tpu.memory_space<vmem_shared>>
      %dma_start3A_136 = tpu.memref_slice %arg10[%mul3A_0] : memref<10240xf32, #tpu.memory_space<vmem_shared>> -> memref<640xf32, #tpu.memory_space<vmem_shared>>
      tpu.enqueue_dma source(%dma_start3A_136 : memref<640xf32, #tpu.memory_space<vmem_shared>>) target(%arg9 : memref<640xf32, #tpu.memory_space<vmem>>) target_semaphore(%run_scoped3A : memref<!tpu.dma_semaphore, #tpu.memory_space<semaphore_mem>>)
      %dma_wait3A = tpu.memref_slice %arg10[%mul3A_0] : memref<10240xf32, #tpu.memory_space<vmem_shared>> -> memref<640xf32, #tpu.memory_space<vmem_shared>>
      %dma_wait3A_137 = tpu.memref_slice %arg10[%mul3A_0] : memref<10240xf32, #tpu.memory_space<vmem_shared>> -> memref<640xf32, #tpu.memory_space<vmem_shared>>
      tpu.wait_dma2 semaphore(%run_scoped3A : memref<!tpu.dma_semaphore, #tpu.memory_space<semaphore_mem>>) src(%dma_wait3A_137 : memref<640xf32, #tpu.memory_space<vmem_shared>>) dst(%arg9 : memref<640xf32, #tpu.memory_space<vmem>>)
      tpu.yield
    }) : () -> ()
    %eq3A_133 = arith.constant 0 : i32
    %eq3A_134 = arith.cmpi eq, %arg0, %eq3A_133 : i32
    %convert_element_type3A = arith.extui %eq3A_134 : i1 to i32
    %cond3A = arith.constant 0 : i32
    %cond3A_135 = arith.cmpi ne, %convert_element_type3A, %cond3A : i32
    scf.if %cond3A_135 {
      %run_scoped3A = arith.constant 0 : i32
      "tpu.region"() ({
        %run_scoped3A_136 = tpu.sem_alloc : memref<!tpu.dma_semaphore, #tpu.memory_space<semaphore_mem>>
        %dma_start3A = tpu.memref_slice %arg3[%run_scoped3A, %mul3A_0] : memref<1x10240xf32, #tpu.memory_space<hbm>> -> memref<1x640xf32, #tpu.memory_space<hbm>>
        %dma_start3A_137 = tpu.memref_squeeze %dma_start3A : memref<1x640xf32, #tpu.memory_space<hbm>> -> memref<640xf32, #tpu.memory_space<hbm>>
        %dma_start3A_138 = tpu.memref_slice %arg3[%run_scoped3A, %mul3A_0] : memref<1x10240xf32, #tpu.memory_space<hbm>> -> memref<1x640xf32, #tpu.memory_space<hbm>>
        %dma_start3A_139 = tpu.memref_squeeze %dma_start3A_138 : memref<1x640xf32, #tpu.memory_space<hbm>> -> memref<640xf32, #tpu.memory_space<hbm>>
        tpu.enqueue_dma source(%arg9 : memref<640xf32, #tpu.memory_space<vmem>>) target(%dma_start3A_139 : memref<640xf32, #tpu.memory_space<hbm>>) target_semaphore(%run_scoped3A_136 : memref<!tpu.dma_semaphore, #tpu.memory_space<semaphore_mem>>)
        %dma_wait3A = tpu.memref_slice %arg3[%run_scoped3A, %mul3A_0] : memref<1x10240xf32, #tpu.memory_space<hbm>> -> memref<1x640xf32, #tpu.memory_space<hbm>>
        %dma_wait3A_140 = tpu.memref_squeeze %dma_wait3A : memref<1x640xf32, #tpu.memory_space<hbm>> -> memref<640xf32, #tpu.memory_space<hbm>>
        %dma_wait3A_141 = tpu.memref_slice %arg3[%run_scoped3A, %mul3A_0] : memref<1x10240xf32, #tpu.memory_space<hbm>> -> memref<1x640xf32, #tpu.memory_space<hbm>>
        %dma_wait3A_142 = tpu.memref_squeeze %dma_wait3A_141 : memref<1x640xf32, #tpu.memory_space<hbm>> -> memref<640xf32, #tpu.memory_space<hbm>>
        tpu.wait_dma2 semaphore(%run_scoped3A_136 : memref<!tpu.dma_semaphore, #tpu.memory_space<semaphore_mem>>) src(%arg9 : memref<640xf32, #tpu.memory_space<vmem>>) dst(%dma_wait3A_142 : memref<640xf32, #tpu.memory_space<hbm>>)
        tpu.yield
      }) : () -> ()
    } else {
    }
    return
  }
}

module attributes {stable_mosaic.version = 14 : i64} {
  func.func @_tc_body(%arg0: memref<1x10000xf32, #tpu.memory_space<vmem>>, %arg1: memref<10000x256xf32, #tpu.memory_space<vmem>>, %arg2: memref<512x256xf32, #tpu.memory_space<vmem>>, %arg3: memref<512xf32, #tpu.memory_space<vmem>>, %arg4: memref<512x512xf32, #tpu.memory_space<vmem>>, %arg5: memref<512xf32, #tpu.memory_space<vmem>>, %arg6: memref<512x512xf32, #tpu.memory_space<vmem>>, %arg7: memref<512xf32, #tpu.memory_space<vmem>>, %arg8: memref<10x512xf32, #tpu.memory_space<vmem>>, %arg9: memref<10xf32, #tpu.memory_space<vmem>>, %arg10: memref<1x10xf32, #tpu.memory_space<vmem>>) attributes {dimension_semantics = [], scalar_prefetch = 0 : i64, scratch_operands = 0 : i64, tpu.core_type = #tpu.core_type<tc>} {
    %get3A = arith.constant 0 : index
    %get3A_0 = arith.constant 0 : index
    %get3A_1 = vector.load %arg0[%get3A, %get3A_0] : memref<1x10000xf32, #tpu.memory_space<vmem>>, vector<1x10000xf32>
    %get3A_2 = arith.constant 0 : index
    %get3A_3 = arith.constant 0 : index
    %get3A_4 = vector.load %arg1[%get3A_2, %get3A_3] : memref<10000x256xf32, #tpu.memory_space<vmem>>, vector<10000x256xf32>
    %dot_general3A = arith.constant dense<0.000000e+00> : vector<1x256xf32>
    %dot_general3A_5 = tpu.matmul %get3A_1, %get3A_4, %dot_general3A {dimension_numbers = #tpu.dot_dimension_numbers<[1], [0], [0], [1], [0, 0, 1, 1], [], []>, transpose_lhs_hint = false} : vector<1x10000xf32>, vector<10000x256xf32>, vector<1x256xf32> -> vector<1x256xf32>
    %reduce_sum3A = vector.shape_cast %get3A_1 : vector<1x10000xf32> to vector<1x1x10000xf32>
    %reduce_sum3A_6 = arith.constant dense<0.000000e+00> : vector<1xf32>
    %reduce_sum3A_7 = vector.multi_reduction <add>, %reduce_sum3A, %reduce_sum3A_6 [1, 2] : vector<1x1x10000xf32> to vector<1xf32>
    %reduce_sum3A_8 = vector.shape_cast %reduce_sum3A_7 : vector<1xf32> to vector<1x1x1xf32>
    %reduce_sum3A_9 = vector.extract %reduce_sum3A_8[0, 0, 0] : f32 from vector<1x1x1xf32>
    %get3A_10 = arith.constant 0 : index
    %get3A_11 = arith.constant 0 : index
    %get3A_12 = vector.load %arg2[%get3A_10, %get3A_11] : memref<512x256xf32, #tpu.memory_space<vmem>>, vector<512x256xf32>
    %dot_general3A_13 = arith.constant dense<0.000000e+00> : vector<1x512xf32>
    %dot_general3A_14 = tpu.matmul %dot_general3A_5, %get3A_12, %dot_general3A_13 {dimension_numbers = #tpu.dot_dimension_numbers<[1], [1], [0], [0], [0, 0, 1, 0], [], []>, transpose_lhs_hint = false} : vector<1x256xf32>, vector<512x256xf32>, vector<1x512xf32> -> vector<1x512xf32>
    %get3A_15 = arith.constant 0 : index
    %get3A_16 = vector.load %arg3[%get3A_15] : memref<512xf32, #tpu.memory_space<vmem>>, vector<512xf32>
    %reshape3A = vector.shape_cast %get3A_16 : vector<512xf32> to vector<1x512xf32>
    %mul3A = vector.broadcast %reduce_sum3A_9 : f32 to vector<1x512xf32>
    %mul3A_17 = arith.mulf %mul3A, %reshape3A : vector<1x512xf32>
    %add3A = arith.addf %dot_general3A_14, %mul3A_17 : vector<1x512xf32>
    %get3A_18 = arith.constant 0 : index
    %get3A_19 = arith.constant 0 : index
    %get3A_20 = vector.load %arg4[%get3A_18, %get3A_19] : memref<512x512xf32, #tpu.memory_space<vmem>>, vector<512x512xf32>
    %dot_general3A_21 = arith.constant dense<0.000000e+00> : vector<1x512xf32>
    %dot_general3A_22 = tpu.matmul %add3A, %get3A_20, %dot_general3A_21 {dimension_numbers = #tpu.dot_dimension_numbers<[1], [1], [0], [0], [0, 0, 1, 0], [], []>, transpose_lhs_hint = false} : vector<1x512xf32>, vector<512x512xf32>, vector<1x512xf32> -> vector<1x512xf32>
    %get3A_23 = arith.constant 0 : index
    %get3A_24 = vector.load %arg5[%get3A_23] : memref<512xf32, #tpu.memory_space<vmem>>, vector<512xf32>
    %reshape3A_25 = vector.shape_cast %get3A_24 : vector<512xf32> to vector<1x512xf32>
    %add3A_26 = arith.addf %dot_general3A_22, %reshape3A_25 : vector<1x512xf32>
    %get3A_27 = arith.constant 0 : index
    %get3A_28 = arith.constant 0 : index
    %get3A_29 = vector.load %arg6[%get3A_27, %get3A_28] : memref<512x512xf32, #tpu.memory_space<vmem>>, vector<512x512xf32>
    %dot_general3A_30 = arith.constant dense<0.000000e+00> : vector<1x512xf32>
    %dot_general3A_31 = tpu.matmul %add3A_26, %get3A_29, %dot_general3A_30 {dimension_numbers = #tpu.dot_dimension_numbers<[1], [1], [0], [0], [0, 0, 1, 0], [], []>, transpose_lhs_hint = false} : vector<1x512xf32>, vector<512x512xf32>, vector<1x512xf32> -> vector<1x512xf32>
    %get3A_32 = arith.constant 0 : index
    %get3A_33 = vector.load %arg7[%get3A_32] : memref<512xf32, #tpu.memory_space<vmem>>, vector<512xf32>
    %reshape3A_34 = vector.shape_cast %get3A_33 : vector<512xf32> to vector<1x512xf32>
    %add3A_35 = arith.addf %dot_general3A_31, %reshape3A_34 : vector<1x512xf32>
    %get3A_36 = arith.constant 0 : index
    %get3A_37 = arith.constant 0 : index
    %get3A_38 = vector.load %arg8[%get3A_36, %get3A_37] : memref<10x512xf32, #tpu.memory_space<vmem>>, vector<10x512xf32>
    %dot_general3A_39 = arith.constant dense<0.000000e+00> : vector<1x10xf32>
    %dot_general3A_40 = tpu.matmul %add3A_35, %get3A_38, %dot_general3A_39 {dimension_numbers = #tpu.dot_dimension_numbers<[1], [1], [0], [0], [0, 0, 1, 0], [], []>, transpose_lhs_hint = false} : vector<1x512xf32>, vector<10x512xf32>, vector<1x10xf32> -> vector<1x10xf32>
    %get3A_41 = arith.constant 0 : index
    %get3A_42 = vector.load %arg9[%get3A_41] : memref<10xf32, #tpu.memory_space<vmem>>, vector<10xf32>
    %reshape3A_43 = vector.shape_cast %get3A_42 : vector<10xf32> to vector<1x10xf32>
    %add3A_44 = arith.addf %dot_general3A_40, %reshape3A_43 : vector<1x10xf32>
    %swap3A = arith.constant 0 : index
    %swap3A_45 = arith.constant 0 : index
    %swap3A_46 = vector.load %arg10[%swap3A, %swap3A_45] : memref<1x10xf32, #tpu.memory_space<vmem>>, vector<1x10xf32>
    tpu.vector_store %arg10[%swap3A, %swap3A_45], %add3A_44 {strides = array<i32>} : memref<1x10xf32, #tpu.memory_space<vmem>>, vector<1x10xf32>,
    return
  }
}

</mosaic_0001>

<sc_bundles>
// kernel: kernel.4.cloned.1.call-start
scs
__scs_entry_jumppad:
0x0: {  	(pc) =	sbr.rel $0x88, $3  }
0x1: {  	(tag) =	ssettag $0x0;
	lr =	simm.s32 $0x1  }
0x2: {  	[smem:$0x3F97] =	sst lr;
	_ =	strace $0xD0000000  }
0x3: {  	_ = 	snop  }
0x4: {  	_ = 	snop  }
0x5: {  	_ = 	snop  }
0x6: {  	_ = 	snop  }
0x7: {  	_ = 	snop  }
__scs_overlays_trampoline_lowered:
0x8: {  	[smem:$0x3FA6] =	sst s0  }
0x9: {  	[smem:$0x3FA7] =	sst s1  }
0xa: {  	[smem:$0x3FA8] =	sst s2  }
0xb: {  	[smem:$0x3FA9] =	sst s3  }
0xc: {  	[smem:$0x3FAA] =	sst s4  }
0xd: {  	[smem:$0x3FAB] =	sst s5  }
0xe: {  	[smem:$0x3FAC] =	sst s6  }
0xf: {  	[smem:$0x3FAD] =	sst s7  }
0x10: {  	[smem:$0x3FAE] =	sst s8  }
0x11: {  	[smem:$0x3FAF] =	sst s9;
	s0 =	simm.s32 @!p0 $0x0  }
0x12: {  	s1 =	sld [smem:$0x3F95];
	s0 =	simm.s32 @p0 $0x1  }
0x13: {  	[smem:$0x3FB0] =	sst s0;
	s0 =	simm.s32 @!p1 $0x0  }
0x14: {  	s2 =	sld [smem:$0x3F94];
	s0 =	simm.s32 @p1 $0x1  }
0x15: {  	[smem:$0x3FB1] =	sst s0;
	s0 =	simm.s32 @!p2 $0x0  }
0x16: {  	s3 =	sld [smem:$0x3FDB];
	s0 =	simm.s32 @p2 $0x1  }
0x17: {  	s4 =	simm.s32 $0x1BF5;
	[smem:$0x3FB3] =	sst s0  }
0x18: {  	s0 =	sld [smem:$0x3F96];
	_ =	swait.ge [sflag:s4], $0x0  }
0x19: {  	s7 =	sld [smem:$0x3F97]  }
0x1a: {  	s8 =	sadd.s32 $0xFFFFE003, lr  }
0x1b: {  	s9 =	sadd.s32 $0xFFFFFEF7, lr;
	s5 =	simm.s32 $0xFFFFFFFF;
	p2 =	slt.u32 s8, $0xFFFFF086  }
0x1c: {  	p1 =	slt.u32 s9, $0xF7A;
	s5 =	simm.s32 @!p2 $0x0  }
0x1d: {  	s5 =	simm.s32 @p1 $0x1;
	p0 =	seq.s32 s7, s2  }
0x1e: {  	s7 =	smul.u32 @!p0 $0xF7A, s2;
	p2 =	seq.s32 @!p0 s5, $0x0  }
0x1f: {  	s9 =	smul.u32 $0xF7A, s1;
	s8 =	simm.s32 @!p0 $0x1BF5;
	p2 =	por !p2, p0  }
0x20: {  	[sflag:s8] =	ssyncset.s32 @!p0 $0xFFFFF086;
	s6 =	sadd.s32 @!p0 s3, s7;
	s7 =	simm.s32 @!p0 $0x108  }
0x21: {  	s3 =	sadd.s32 s3, s9;
	s6 =	sadd.s32 @!p0 $0x88, s6;
	s7 =	simm.s32 @p2 $0x1082  }
0x22: {  	[simem:s7], [sflag:s8] =	dma.local @!p0 [hbm:s6], $0xF7A  }
0x23: {  	s9 =	sor.u32 $0xD0000000, s2;
	s6 =	simm.s32 $0x108;
	_ =	swait.ge @!p0 [sflag:s8], $0x0  }
0x24: {  	s3 =	sadd.s32 $0x88, s3;
	s6 =	simm.s32 @!p1 $0x1082;
	[sflag:s4] =	ssyncset.s32 $0xFFFFF086  }
0x25: {  	[simem:s6], [sflag:s4] =	dma.local [hbm:s3], $0xF7A  }
0x26: {  	[smem:$0x3F97] =	sst s1;
	(tag) =	ssettag s2;
	_ =	strace s9  }
0x27: {  	s1 =	sld [smem:$0x3FA7]  }
0x28: {  	s2 =	sld [smem:$0x3FA8]  }
0x29: {  	s4 =	sld [smem:$0x3FAA]  }
0x2a: {  	p0 =	seq.s32 s5, $0x0;
	s5 =	sld [smem:$0x3FAB]  }
0x2b: {  	s6 =	sld [smem:$0x3FAC]  }
0x2c: {  	s7 =	sld [smem:$0x3FAD]  }
0x2d: {  	s3 =	simm.s32 $0x108;
	s8 =	sld [smem:$0x3FAE]  }
0x2e: {  	s3 =	simm.s32 @!p0 $0x1082;
	s9 =	sld [smem:$0x3FAF]  }
0x2f: {  	lr =	sadd.s32 s0, s3;
	s0 =	sld [smem:$0x3FA6]  }
0x30: {  	s3 =	sld [smem:$0x3FA9]  }
0x31: {  	[smem:$0x3FB2] =	sst s10  }
0x32: {  	s10 =	sld [smem:$0x3FB0];
	_ =	sdelay $0x3  }
0x33: {  	p0 =	seq.s32 s10, $0x1;
	s10 =	sld [smem:$0x3FB2];
	_ =	sdelay $0x3  }
0x34: {  	[smem:$0x3FB2] =	sst s10  }
0x35: {  	s10 =	sld [smem:$0x3FB1];
	_ =	sdelay $0x3  }
0x36: {  	p1 =	seq.s32 s10, $0x1;
	s10 =	sld [smem:$0x3FB2];
	_ =	sdelay $0x3  }
0x37: {  	[smem:$0x3FB2] =	sst s10  }
0x38: {  	s10 =	sld [smem:$0x3FB3]  }
0x39: {  	_ = 	snop;
	(pc) =	sbr.ind lr, $3  }
0x3a: {  	_ = 	snop  }
0x3b: {  	_ = 	snop  }
0x3c: {  	p2 =	seq.s32 s10, $0x1;
	s10 =	sld [smem:$0x3FB2]  }
0x3d: {  	_ =	shalt  }
0x3e: {  	_ =	shalt  }
0x3f: {  	_ =	shalt  }
0x40: {  	_ =	shalt  }
0x41: {  	_ =	shalt  }
0x42: {  	_ =	shalt  }
0x43: {  	_ =	shalt  }
0x44: {  	_ =	shalt  }
0x45: {  	_ =	shalt  }
0x46: {  	_ =	shalt  }
0x47: {  	_ =	shalt  }
0x48: {  	_ =	shalt  }
0x49: {  	_ =	shalt  }
0x4a: {  	_ =	shalt  }
0x4b: {  	_ =	shalt  }
0x4c: {  	_ =	shalt  }
0x4d: {  	_ =	shalt  }
0x4e: {  	_ =	shalt  }
0x4f: {  	_ =	shalt  }
0x50: {  	_ =	shalt  }
0x51: {  	_ =	shalt  }
0x52: {  	_ =	shalt  }
0x53: {  	_ =	shalt  }
0x54: {  	_ =	shalt  }
0x55: {  	_ =	shalt  }
0x56: {  	_ =	shalt  }
0x57: {  	_ =	shalt  }
0x58: {  	_ =	shalt  }
0x59: {  	_ =	shalt  }
0x5a: {  	_ =	shalt  }
0x5b: {  	_ =	shalt  }
0x5c: {  	_ =	shalt  }
0x5d: {  	_ =	shalt  }
0x5e: {  	_ =	shalt  }
0x5f: {  	_ =	shalt  }
0x60: {  	_ =	shalt  }
0x61: {  	_ =	shalt  }
0x62: {  	_ =	shalt  }
0x63: {  	_ =	shalt  }
0x64: {  	_ =	shalt  }
0x65: {  	_ =	shalt  }
0x66: {  	_ =	shalt  }
0x67: {  	_ =	shalt  }
0x68: {  	_ =	shalt  }
0x69: {  	_ =	shalt  }
0x6a: {  	_ =	shalt  }
0x6b: {  	_ =	shalt  }
0x6c: {  	_ =	shalt  }
0x6d: {  	_ =	shalt  }
0x6e: {  	_ =	shalt  }
0x6f: {  	_ =	shalt  }
0x70: {  	_ =	shalt  }
0x71: {  	_ =	shalt  }
0x72: {  	_ =	shalt  }
0x73: {  	_ =	shalt  }
0x74: {  	_ =	shalt  }
0x75: {  	_ =	shalt  }
0x76: {  	_ =	shalt  }
0x77: {  	_ =	shalt  }
0x78: {  	_ =	shalt  }
0x79: {  	_ =	shalt  }
0x7a: {  	_ =	shalt  }
0x7b: {  	_ =	shalt  }
0x7c: {  	_ =	shalt  }
0x7d: {  	_ =	shalt  }
0x7e: {  	_ =	shalt  }
0x7f: {  	_ =	shalt  }
0x80: {  	_ =	shalt  }
0x81: {  	_ =	shalt  }
0x82: {  	_ =	shalt  }
0x83: {  	_ =	shalt  }
0x84: {  	_ =	shalt  }
0x85: {  	_ =	shalt  }
0x86: {  	_ =	shalt  }
0x87: {  	_ =	shalt  }
.Lfunc_end0:
.L_simem_size_0:
called_computation_lowered:
.L_overlay_start_0:
0x88: {  	s2 =	sld [smem:$0x3FD9]  }
0x89: {  	s3 =	sld [smem:$0x3FFE];
	_ =	sdelay $0x1  }
0x8a: {  	s1 =	srdreg.scid  }
0x8b: {  	s0 =	sand.u32 $0x1, s1  }
0x8c: {  	s17 =	sshll.u32 s0, $0xA;
	s2 =	sadd.s32 s3, s2  }
0x8d: {  	s2 =	sadd.s32 s2, s17  }
0x8e: {  	[smem:$0x3FBE] =	sst s2  }
0x8f: {  	_ = 	snop  }
0x90: {  	s2 =	sld [smem:$0x3FC8];
	(tm) =	ssettm $0x1  }
0x91: {  	s18 =	sld [smem:$0x3FFB];
	_ =	sdelay $0x3  }
0x92: {  	_ =	strace s18  }
0x93: {  	s3 =	sld [smem:$0x3FFC];
	_ =	sdelay $0x3  }
0x94: {  	_ =	strace s3  }
0x95: {  	s3 =	sld [smem:$0x3FFD];
	_ =	sdelay $0x3  }
0x96: {  	_ =	strace s3  }
0x97: {  	_ =	strace $0x8FFFFFFF  }
0x98: {  	s19 =	sld [smem:$0x3FDB];
	_ =	sdelay $0x1  }
0x99: {  	s4 =	simm.s32 $_scs_section_size  }
0x9a: {  	s5 =	simm.s32 $_size__tile_overlayer_lowered;
	s6 =	simm.s32 $_tile_overlayer_lowered  }
0x9b: {  	s22 =	simm.s32 $0x1BFF;
	s21 =	sshll.u32 s6, $0x1;
	s3 =	sadd.s32 s4, s19  }
0x9c: {  	s7 =	simm.s32 $0x0;
	s20 =	sshll.u32 s5, $0x1;
	s5 =	sadd.s32 s21, s3  }
0x9d: {  	[timem:s7], [sflag:s22] =	dma.local [hbm:s5], s20  }
0x9e: {  	_ =	swait.ge [sflag:s22], s20  }
0x9f: {  	s4 =	ssub.s32 $0x0, s20;
	[sflag:s22] =	ssyncset.done $0x0  }
0xa0: {  	[sflag:s22] =	ssyncadd.s32 s4;
	_ =	sdelay $0x1  }
0xa1: {  	s23 =	simm.s32 $0x1B8B  }
0xa2: {  	_ =	swait.ge [sflag:s23], $0x1  }
0xa3: {  	[sflag:s23] =	ssyncset.done $0x0  }
0xa4: {  	s25 =	simm.s32 $0x1B8E;
	s24 =	sld [smem:$0x3FFE];
	[sflag:s23] =	ssyncadd.s32 $0xFFFFFFFF  }
0xa5: {  	s26 =	simm.s32 $execute0_lowered;
	[smem:$0x3FD2] =	sst s25  }
0xa6: {  	s5 =	sshll.u32 s26, $0x1;
	_ =	strace $0x80000046;
	[dreg:$0x1] =	wrdreg $0xFFFFFFFF  }
0xa7: {  	s28 =	simm.s32 $_size_execute0_lowered;
	s3 =	sadd.s32 s3, s5;
	[dreg:$0x0] =	wrdreg $0x0  }
0xa8: {  	s5 =	sshll.u32 s28, $0x1;
	[dreg:$0x2] =	wrdreg s3  }
0xa9: {  	[dreg:$0x3] =	wrdreg s5  }
0xaa: {  	[dreg:$0x4] =	wrdreg $0xC0  }
0xab: {  	_ =	task [dreg:s7], $0x5FFFF  }
0xac: {  	[dreg:$0x1] =	wrdreg $0xFFFFFFFF  }
0xad: {  	[dreg:$0x0] =	wrdreg $0x60  }
0xae: {  	[dreg:$0x2] =	wrdreg s2  }
0xaf: {  	[dreg:$0x3] =	wrdreg s24  }
0xb0: {  	[dreg:$0x4] =	wrdreg $0xCA800  }
0xb1: {  	[dreg:$0x5] =	wrdreg $0xCD000  }
0xb2: {  	[dreg:$0x6] =	wrdreg $0x9  }
0xb3: {  	_ =	task.clear_ibuf [dreg:s7], $0x7FFFF;
	_ =	strace $0x90000046  }
0xb4: {  	s29 =	simm.s32 $0x9;
	_ =	strace $0x80000048  }
0xb5: {  	_ =	swait.ge [sflag:s29], $0x1  }
0xb6: {  	[sflag:s29] =	ssyncadd.s32 $0xFFFFFFFF  }
0xb7: {  	_ =	strace $0x90000048  }
0xb8: {  	_ =	sfence  }
0xb9: {  	s30 =	sld [smem:$0x0];
	_ =	sdelay $0x2  }
0xba: {  	s31 =	sshll.u32 s1, $0xD;
	s1 =	sshrl.u32 s1, $0x2  }
0xbb: {  	s3 =	sand.u32 $0x4000, s31;
	s1 =	sadd.s32 s1, s30  }
0xbc: {  	s0 =	sor.u32 s3, s0;
	s1 =	sshll.u32 s1, $0x11  }
0xbd: {  	s0 =	sor.u32 s1, s0  }
0xbe: {  	s0 =	sadd.s32 $0x8F2B, s0  }
0xbf: {  	[sflag:s0] =	ssyncadd.remote.s32 $0x1  }
0xc0: {  	_ =	sfence.sel $0xFFFF  }
0xc1: {  	[dreg:$0x0] =	wrdreg $0xFFFFFFFF;
	(pc) =	sbr.abs _section_cstart, $3  }
0xc2: {  	[dreg:$0x1] =	wrdreg $0xFFFFFFFF  }
0xc3: {  	_ =	task.clear_ibuf [dreg:s7], $0x2FFFF;
	_ =	strace $0x9FFFFFFF  }
0xc4: {  	(tm) =	ssettm $0x7FFFFFFF  }
0xc5: {  	_ =	shalt  }
tec
execute0_lowered:
.L_overlay_start_1:
0x0: {  	(tag) =	ssettag $0x1  }
0x1: {  	s10 =	rddreg [dreg:$0x0]  }
0x2: {  	s5 =	rddreg [dreg:$0x1]  }
0x3: {  	s2 =	rddreg [dreg:$0x2]  }
0x4: {  	s3 =	rddreg [dreg:$0x3]  }
0x5: {  	s0 =	stileid.u32;
	s1 =	rddreg [dreg:$0x4]  }
0x6: {  	s4 =	simm.s32 $0x0;
	s6 =	srdreg.scid;
	s13 =	simm.s32 $0x2  }
0x7: {  	s14 =	simm.s32 $0x1;
	s15 =	simm.s32 $0x80;
	s16 =	simm.s32 $0x7800  }
0x8: {  	s17 =	simm.s32 $0xA000;
	s7 =	smul.u32 $0x280, s0;
	[smem:$0x7FF] =	sst s4  }
0x9: {  	s18 =	sand.u32 $0x1, s6;
	p0 =	seq.s32 s0, $0xF;
	s11 =	smul.u32 $0xA00, s0  }
0xa: {  	_ =	strace $0x80000047;
	s6 =	ssub.s32 $0x2, s18;
	p1 =	sne.s32 s18, $0x0  }
0xb: {  	s18 =	simm.s32 $0x0;
	s8 =	sshrl.u32 s7, $0x3;
	s9 =	sshrl.u32 s6, $0x1  }
0xc: {  	s10 =	sadd.s32 s11, s10;
	s8 =	sadd.s32 s8, s5;
	s5 =	simm.s32 $0x32  }
0xd: {  	s9 =	ssub.s32 s6, s9;
	s6 =	sadd.s32 s7, s2;
	s5 =	simm.s32 @!p0 $0x50  }
0xe: {  	s7 =	sadd.s32 s7, s3;
	s8 =	sadd.s32 $0x1600, s8;
	s12 =	smax.u32 s5, $0x4F  }
0xf: {  	v0 =	vimm.s32 $0x27FF;
	v1 =	vimm.f32 $0.0e+00;
	v2 =	vimm.f32 $1.000000000e+00;
	s9 =	smax.u32 s9, $0x1;
	s11 =	sadd.s32 $0xFFFFFFCF, s12;
	s12 =	simm.s32 $0xC800  }
.LBB2_1:
0x10: {  	p2 =	seq.s32 s5, $0x1  }
.Ltmp0:
0x11: {  	_ = 	snop;
	(pc) =	sbr.rel @p2 .LBB2_3-.Ltmp0, $4  }
0x12: {  	[tilespmem:s4], [sflag:$0x1] =	stream.linear.gather [hbm4b:s10+s4], $0x80, $0x38;
	[tilespmem:$0xCF80] =	vst v63  }
0x13: {  	s19 =	simm.s32 $0x2800;
	s20 =	sadd.s32 $0x10, s10  }
0x14: {  	[tilespmem:s19], [sflag:$0x1] =	stream.linear.gather [hbm4b:s20+s4], $0x80, $0x38;
	[tilespmem:$0xCF80] =	vst v63  }
0x15: {  	s21 =	sadd.s32 $0x20, s10;
	s22 =	simm.s32 $0x80;
	s20 =	sadd.s32 $0xFFFFFFFF, s5  }
.LBB2_2:
0x16: {  	[tilespmem:s22], [sflag:$0x1] =	stream.linear.gather [hbm4b:s21+s4], $0x80, $0x38;
	[tilespmem:$0xCF80] =	vst v63  }
0x17: {  	p2 =	seq.s32 s20, $0x1  }
.Ltmp1:
0x18: {  	s20 =	sadd.s32 $0xFFFFFFFF, s20;
	(pc) =	sbr.rel @!p2 .LBB2_2-.Ltmp1, $4  }
0x19: {  	s23 =	sadd.s32 $0x10, s21;
	s19 =	sadd.s32 $0x80, s19  }
0x1a: {  	[tilespmem:s19], [sflag:$0x1] =	stream.linear.gather [hbm4b:s23+s4], $0x80, $0x38;
	[tilespmem:$0xCF80] =	vst v63  }
0x1b: {  	_ = 	snop  }
0x1c: {  	s21 =	sadd.s32 $0x20, s21;
	s22 =	sadd.s32 $0x80, s22  }
.LBB2_3:
.Ltmp2:
0x1d: {  	(pc) =	sbr.rel @!p0 .LBB2_6-.Ltmp2, $1  }
0x1e: {  	_ =	sdelay $0x3  }
0x1f: {  	s20 =	simm.s32 $0x1970  }
0x20: {  	s19 =	simm.s32 $0x4170;
	[tilespmem:s20+$0xFFFFFF90] =	vst v0  }
0x21: {  	[tilespmem:s19+$0xFFFFFF90] =	vst v0  }
0x22: {  	[tilespmem:s20+$0xFFFFFFA0] =	vst v0  }
0x23: {  	[tilespmem:s19+$0xFFFFFFA0] =	vst v0  }
0x24: {  	[tilespmem:s20+$0xFFFFFFB0] =	vst v0  }
0x25: {  	[tilespmem:s19+$0xFFFFFFB0] =	vst v0  }
0x26: {  	[tilespmem:s20+$0xFFFFFFC0] =	vst v0  }
0x27: {  	[tilespmem:s19+$0xFFFFFFC0] =	vst v0  }
0x28: {  	[tilespmem:s20+$0xFFFFFFD0] =	vst v0  }
0x29: {  	[tilespmem:s19+$0xFFFFFFD0] =	vst v0  }
0x2a: {  	p2 =	seq.s32 s11, $0x1;
	[tilespmem:s20+$0xFFFFFFE0] =	vst v0  }
.Ltmp3:
0x2b: {  	[tilespmem:s19+$0xFFFFFFE0] =	vst v0;
	(pc) =	sbr.rel @p2 .LBB2_6-.Ltmp3, $4  }
0x2c: {  	[tilespmem:s20+$0xFFFFFFF0] =	vst v0  }
0x2d: {  	[tilespmem:s19+$0xFFFFFFF0] =	vst v0  }
0x2e: {  	[tilespmem:s20+$0x0] =	vst v0  }
0x2f: {  	s21 =	sadd.s32 $0xFFFFFFFF, s11;
	s20 =	simm.s32 $0x19F0;
	[tilespmem:s19+$0x0] =	vst v0  }
.LBB2_5:
0x30: {  	[tilespmem:s20+$0xFFFFFF90] =	vst v0;
	p2 =	seq.s32 s21, $0x1;
	s19 =	sadd.s32 $0x80, s19  }
0x31: {  	[tilespmem:s19+$0xFFFFFF90] =	vst v0  }
0x32: {  	[tilespmem:s20+$0xFFFFFFA0] =	vst v0  }
0x33: {  	[tilespmem:s19+$0xFFFFFFA0] =	vst v0  }
0x34: {  	[tilespmem:s20+$0xFFFFFFB0] =	vst v0  }
0x35: {  	[tilespmem:s19+$0xFFFFFFB0] =	vst v0  }
0x36: {  	[tilespmem:s20+$0xFFFFFFC0] =	vst v0  }
0x37: {  	[tilespmem:s19+$0xFFFFFFC0] =	vst v0  }
0x38: {  	[tilespmem:s20+$0xFFFFFFD0] =	vst v0  }
0x39: {  	[tilespmem:s19+$0xFFFFFFD0] =	vst v0  }
0x3a: {  	[tilespmem:s20+$0xFFFFFFE0] =	vst v0  }
.Ltmp4:
0x3b: {  	[tilespmem:s19+$0xFFFFFFE0] =	vst v0;
	(pc) =	sbr.rel @!p2 .LBB2_5-.Ltmp4, $4  }
0x3c: {  	[tilespmem:s20+$0xFFFFFFF0] =	vst v0  }
0x3d: {  	[tilespmem:s19+$0xFFFFFFF0] =	vst v0  }
0x3e: {  	[tilespmem:s20+$0x0] =	vst v0  }
0x3f: {  	s21 =	sadd.s32 $0xFFFFFFFF, s21;
	s20 =	sadd.s32 $0x80, s20;
	[tilespmem:s19+$0x0] =	vst v0  }
.LBB2_6:
0x40: {  	[tilespmem:$0xC800] =	vst v1  }
0x41: {  	[tilespmem:$0xC810] =	vst v1  }
0x42: {  	[tilespmem:$0xC820] =	vst v1  }
0x43: {  	[tilespmem:$0xC830] =	vst v1  }
0x44: {  	[tilespmem:$0xC840] =	vst v1  }
0x45: {  	[tilespmem:$0xC850] =	vst v1  }
0x46: {  	[tilespmem:$0xC860] =	vst v1  }
0x47: {  	[tilespmem:$0xC870] =	vst v1  }
0x48: {  	[tilespmem:$0xC880] =	vst v1  }
0x49: {  	[tilespmem:$0xC890] =	vst v1  }
0x4a: {  	[tilespmem:$0xC8A0] =	vst v1  }
0x4b: {  	[tilespmem:$0xC8B0] =	vst v1  }
0x4c: {  	[tilespmem:$0xC8C0] =	vst v1  }
0x4d: {  	[tilespmem:$0xC8D0] =	vst v1  }
0x4e: {  	[tilespmem:$0xC8E0] =	vst v1  }
0x4f: {  	[tilespmem:$0xC8F0] =	vst v1  }
0x50: {  	[tilespmem:$0xC900] =	vst v1  }
0x51: {  	[tilespmem:$0xC910] =	vst v1  }
0x52: {  	[tilespmem:$0xC920] =	vst v1  }
0x53: {  	[tilespmem:$0xC930] =	vst v1  }
0x54: {  	[tilespmem:$0xC940] =	vst v1  }
0x55: {  	[tilespmem:$0xC950] =	vst v1  }
0x56: {  	[tilespmem:$0xC960] =	vst v1  }
0x57: {  	[tilespmem:$0xC970] =	vst v1  }
0x58: {  	[tilespmem:$0xC980] =	vst v1  }
0x59: {  	[tilespmem:$0xC990] =	vst v1  }
0x5a: {  	[tilespmem:$0xC9A0] =	vst v1  }
0x5b: {  	[tilespmem:$0xC9B0] =	vst v1  }
0x5c: {  	[tilespmem:$0xC9C0] =	vst v1  }
0x5d: {  	[tilespmem:$0xC9D0] =	vst v1  }
0x5e: {  	[tilespmem:$0xC9E0] =	vst v1  }
0x5f: {  	[tilespmem:$0xC9F0] =	vst v1  }
0x60: {  	[tilespmem:$0xCA00] =	vst v1  }
0x61: {  	[tilespmem:$0xCA10] =	vst v1  }
0x62: {  	[tilespmem:$0xCA20] =	vst v1  }
0x63: {  	[tilespmem:$0xCA30] =	vst v1  }
0x64: {  	[tilespmem:$0xCA40] =	vst v1  }
0x65: {  	[tilespmem:$0xCA50] =	vst v1  }
0x66: {  	[tilespmem:$0xCA60] =	vst v1  }
0x67: {  	[tilespmem:$0xCA70] =	vst v1  }
0x68: {  	[spmem:s6] =	stream.linear.scatter [tilespmem:s12], [sflag:$0x2], $0x280, $0x38;
	[tilespmem:$0xCF80] =	vst v63  }
0x69: {  	_ =	swait.ge [sflag:s13], $0x280  }
0x6a: {  	[sflag:s13] =	ssyncset.done $0x0  }
0x6b: {  	[sflag:s13] =	ssyncadd.s32 $0xFFFFFD80  }
0x6c: {  	[tilespmem:$0x7800] =	vst v2  }
0x6d: {  	[tilespmem:$0x7810] =	vst v2  }
0x6e: {  	[tilespmem:$0x7820] =	vst v2  }
0x6f: {  	[tilespmem:$0x7830] =	vst v2  }
0x70: {  	[tilespmem:$0x7840] =	vst v2  }
0x71: {  	[tilespmem:$0x7850] =	vst v2  }
0x72: {  	[tilespmem:$0x7860] =	vst v2  }
0x73: {  	p2 =	sne.s32 s5, $0x1;
	[tilespmem:$0x7870] =	vst v2  }
.Ltmp5:
0x74: {  	_ =	swait.ge [sflag:s14], $0x80;
	(pc) =	sbr.rel @!p2 .LBB2_8-.Ltmp5, $4  }
0x75: {  	[sflag:s14] =	ssyncset.done $0x0  }
0x76: {  	[sflag:s14] =	ssyncadd.s32 $0xFFFFFF80  }
0x77: {  	_ =	swait.ge [sflag:s14], $0x80  }
0x78: {  	s19 =	sadd.s32 $0xFFFFFFFF, s5;
	[sflag:s14] =	ssyncset.done $0x0  }
.LBB2_7:
0x79: {  	p2 =	sne.s32 s19, $0x1;
	s19 =	sadd.s32 $0xFFFFFFFF, s19;
	[sflag:s14] =	ssyncadd.s32 $0xFFFFFF80  }
.Ltmp6:
0x7a: {  	_ =	swait.ge [sflag:s14], $0x80;
	(pc) =	sbr.rel @p2 .LBB2_7-.Ltmp6, $4  }
0x7b: {  	[sflag:s14] =	ssyncset.done $0x0  }
0x7c: {  	[sflag:s14] =	ssyncadd.s32 $0xFFFFFF80  }
0x7d: {  	_ =	swait.ge [sflag:s14], $0x80  }
0x7e: {  	[sflag:s14] =	ssyncset.done $0x0  }
.LBB2_8:
0x7f: {  	[sflag:s14] =	ssyncadd.s32 $0xFFFFFF80  }
0x80: {  	s19 =	simm.s32 $0x200;
	s20 =	simm.s32 $0x2800;
	[bflag:$0x0] =	sbarrier.arrive $0xFFFF  }
.LBB2_9:
0x81: {  	[spmem:s2] =	stream.indirect.scatter.add.f32 [tilespmem:s16], [sflag:$0x1], $0x1, s20, s15, $0xb8;
	[tilespmem:$0xCF80] =	vst v63  }
0x82: {  	s20 =	smov.u32 s19;
	p2 =	sne.s32 s19, $0x9E00  }
.Ltmp7:
0x83: {  	s19 =	sadd.s32 $0x200, s19;
	(pc) =	sbr.rel @p2 .LBB2_9-.Ltmp7, $3  }
0x84: {  	_ =	sdelay $0x1  }
0x85: {  	s20 =	sshra.s32 s20, $0x2  }
0x86: {  	s20 =	sadd.s32 $0x2800, s20  }
0x87: {  	[spmem:s2] =	stream.indirect.scatter.add.f32 [tilespmem:s16], [sflag:$0x1], $0x1, s20, s15, $0xb8;
	[tilespmem:$0xCF80] =	vst v63  }
0x88: {  	_ =	swait.ge [sflag:s14], $0x2800  }
0x89: {  	[sflag:s14] =	ssyncset.done $0x0  }
0x8a: {  	[sflag:s14] =	ssyncadd.s32 $0xFFFFD800  }
0x8b: {  	[bflag:$0x0] =	sbarrier.arrive $0xFFFF  }
0x8c: {  	[tilespmem:s12], [sflag:$0x2] =	stream.linear.gather [spmem:s6], $0x280, $0x38;
	[tilespmem:$0xCF80] =	vst v63  }
0x8d: {  	_ =	swait.ge [sflag:s13], $0x280  }
0x8e: {  	[sflag:s13] =	ssyncset.done $0x0  }
0x8f: {  	s19 =	simm.s32 $0x0;
	s20 =	simm.s32 $0x40;
	[sflag:s13] =	ssyncadd.s32 $0xFFFFFD80  }
.LBB2_11:
0x90: {  	p2 =	sne.s32 s20, $0x9C0;
	v3 =	vld [tilespmem:s19+$0xC800];
	_ =	sdelay $0x4  }
0x91: {  	v3 =	vmax.f32 v3, $1.000000000e+00  }
0x92: {  	v4 =	vshra.s32 v3, $0x1;
	v3 =	vmul.f32 $5.000000000e-01, v3  }
0x93: {  	v4 =	vsub.s32 $0x5F3759DF, v4  }
0x94: {  	v5 =	vmul.f32 v4, v3;
	_ =	sdelay $0x1  }
0x95: {  	v5 =	vmul.f32 v4, v5;
	_ =	sdelay $0x1  }
0x96: {  	v5 =	vsub.f32 $1.500000000e+00, v5;
	_ =	sdelay $0x1  }
0x97: {  	v4 =	vmul.f32 v4, v5;
	_ =	sdelay $0x1  }
0x98: {  	v5 =	vmul.f32 v4, v3;
	_ =	sdelay $0x1  }
0x99: {  	v5 =	vmul.f32 v5, v4;
	_ =	sdelay $0x1  }
0x9a: {  	v5 =	vsub.f32 $1.500000000e+00, v5;
	_ =	sdelay $0x1  }
0x9b: {  	v4 =	vmul.f32 v5, v4;
	_ =	sdelay $0x1  }
0x9c: {  	v3 =	vmul.f32 v4, v3;
	_ =	sdelay $0x1  }
0x9d: {  	v3 =	vmul.f32 v3, v4;
	_ =	sdelay $0x1  }
.Ltmp8:
0x9e: {  	v3 =	vsub.f32 $1.500000000e+00, v3;
	(pc) =	sbr.rel @p2 .LBB2_11-.Ltmp8, $3  }
0x9f: {  	_ = 	snop  }
0xa0: {  	v3 =	vmul.f32 v3, v4;
	_ =	sdelay $0x1  }
0xa1: {  	[tilespmem:s19+$0xC800] =	vst v3;
	s19 =	sshra.s32 s20, $0x2;
	s20 =	sadd.s32 $0x40, s20  }
0xa2: {  	v3 =	vld [tilespmem:s19+$0xC800];
	_ =	sdelay $0x4  }
0xa3: {  	v3 =	vmax.f32 v3, $1.000000000e+00  }
0xa4: {  	v4 =	vshra.s32 v3, $0x1;
	v3 =	vmul.f32 $5.000000000e-01, v3  }
0xa5: {  	v4 =	vsub.s32 $0x5F3759DF, v4  }
0xa6: {  	v5 =	vmul.f32 v4, v3;
	_ =	sdelay $0x1  }
0xa7: {  	v5 =	vmul.f32 v4, v5;
	_ =	sdelay $0x1  }
0xa8: {  	v5 =	vsub.f32 $1.500000000e+00, v5;
	_ =	sdelay $0x1  }
0xa9: {  	v4 =	vmul.f32 v4, v5;
	_ =	sdelay $0x1  }
0xaa: {  	v5 =	vmul.f32 v4, v3;
	_ =	sdelay $0x1  }
0xab: {  	v5 =	vmul.f32 v5, v4;
	_ =	sdelay $0x1  }
0xac: {  	v5 =	vsub.f32 $1.500000000e+00, v5;
	_ =	sdelay $0x1  }
0xad: {  	v4 =	vmul.f32 v5, v4;
	_ =	sdelay $0x1  }
0xae: {  	v3 =	vmul.f32 v4, v3;
	_ =	sdelay $0x1  }
0xaf: {  	v3 =	vmul.f32 v3, v4;
	_ =	sdelay $0x1  }
0xb0: {  	v3 =	vsub.f32 $1.500000000e+00, v3;
	_ =	sdelay $0x1  }
0xb1: {  	v3 =	vmul.f32 v3, v4;
	_ =	sdelay $0x1  }
0xb2: {  	[tilespmem:s19+$0xC800] =	vst v3  }
0xb3: {  	[spmem:s7] =	stream.linear.scatter [tilespmem:s12], [sflag:$0x2], $0x280, $0x38;
	[tilespmem:$0xCF80] =	vst v63  }
0xb4: {  	_ =	swait.ge [sflag:s13], $0x280  }
0xb5: {  	[sflag:s13] =	ssyncset.done $0x0  }
0xb6: {  	[sflag:s13] =	ssyncadd.s32 $0xFFFFFD80  }
0xb7: {  	[bflag:$0x0] =	sbarrier.arrive $0xFFFF  }
0xb8: {  	[tilespmem:s17], [sflag:$0x2] =	stream.linear.gather [spmem:s3], $0x2800, $0x38;
	[tilespmem:$0xCF80] =	vst v63  }
0xb9: {  	_ =	swait.ge [sflag:s13], $0x2800  }
0xba: {  	[sflag:s13] =	ssyncset.done $0x0  }
0xbb: {  	[sflag:s13] =	ssyncadd.s32 $0xFFFFD800  }
0xbc: {  	[bflag:$0x0] =	sbarrier.arrive $0xFFFF  }
0xbd: {  	[tilespmem:$0xC800] =	vst v1  }
0xbe: {  	[tilespmem:$0xC810] =	vst v1  }
0xbf: {  	[tilespmem:$0xC820] =	vst v1  }
0xc0: {  	[tilespmem:$0xC830] =	vst v1  }
0xc1: {  	[tilespmem:$0xC840] =	vst v1  }
0xc2: {  	[tilespmem:$0xC850] =	vst v1  }
0xc3: {  	[tilespmem:$0xC860] =	vst v1  }
0xc4: {  	[tilespmem:$0xC870] =	vst v1  }
0xc5: {  	[tilespmem:$0xC880] =	vst v1  }
0xc6: {  	[tilespmem:$0xC890] =	vst v1  }
0xc7: {  	[tilespmem:$0xC8A0] =	vst v1  }
0xc8: {  	[tilespmem:$0xC8B0] =	vst v1  }
0xc9: {  	[tilespmem:$0xC8C0] =	vst v1  }
0xca: {  	[tilespmem:$0xC8D0] =	vst v1  }
0xcb: {  	[tilespmem:$0xC8E0] =	vst v1  }
0xcc: {  	[tilespmem:$0xC8F0] =	vst v1  }
0xcd: {  	[tilespmem:$0xC900] =	vst v1  }
0xce: {  	[tilespmem:$0xC910] =	vst v1  }
0xcf: {  	[tilespmem:$0xC920] =	vst v1  }
0xd0: {  	[tilespmem:$0xC930] =	vst v1  }
0xd1: {  	[tilespmem:$0xC940] =	vst v1  }
0xd2: {  	[tilespmem:$0xC950] =	vst v1  }
0xd3: {  	[tilespmem:$0xC960] =	vst v1  }
0xd4: {  	[tilespmem:$0xC970] =	vst v1  }
0xd5: {  	[tilespmem:$0xC980] =	vst v1  }
0xd6: {  	[tilespmem:$0xC990] =	vst v1  }
0xd7: {  	[tilespmem:$0xC9A0] =	vst v1  }
0xd8: {  	[tilespmem:$0xC9B0] =	vst v1  }
0xd9: {  	[tilespmem:$0xC9C0] =	vst v1  }
0xda: {  	[tilespmem:$0xC9D0] =	vst v1  }
0xdb: {  	[tilespmem:$0xC9E0] =	vst v1  }
0xdc: {  	[tilespmem:$0xC9F0] =	vst v1  }
0xdd: {  	[tilespmem:$0xCA00] =	vst v1  }
0xde: {  	[tilespmem:$0xCA10] =	vst v1  }
0xdf: {  	[tilespmem:$0xCA20] =	vst v1  }
0xe0: {  	[tilespmem:$0xCA30] =	vst v1  }
0xe1: {  	[tilespmem:$0xCA40] =	vst v1  }
0xe2: {  	[tilespmem:$0xCA50] =	vst v1  }
0xe3: {  	[tilespmem:$0xCA60] =	vst v1  }
0xe4: {  	[tilespmem:$0xCA70] =	vst v1  }
0xe5: {  	[spmem:s7] =	stream.linear.scatter [tilespmem:s12], [sflag:$0x2], $0x280, $0x38;
	[tilespmem:$0xCF80] =	vst v63  }
0xe6: {  	_ =	swait.ge [sflag:s13], $0x280  }
0xe7: {  	[sflag:s13] =	ssyncset.done $0x0  }
0xe8: {  	[sflag:s13] =	ssyncadd.s32 $0xFFFFFD80  }
0xe9: {  	s19 =	simm.s32 $0x0;
	[bflag:$0x0] =	sbarrier.arrive $0xFFFF  }
0xea: {  	v3 =	vld [tilespmem:s19+$0x0]  }
0xeb: {  	v4 =	vld [tilespmem:s19+$0x2800];
	_ =	sdelay $0x6  }
0xec: {  	v3 =	vld.idx.msk [tilespmem:v3+s17+$0x0], $0xffff  }
0xed: {  	v4 =	vld.idx.msk [tilespmem:v4+s17+$0x0], $0xffff;
	_ =	sdelay $0x1  }
0xee: {  	v5 =	vld [tilespmem:s19+$0x10]  }
0xef: {  	v6 =	vld [tilespmem:s19+$0x2810];
	_ =	sdelay $0x1  }
0xf0: {  	v3 =	vmul.f32 v4, v3;
	_ =	sdelay $0x1  }
0xf1: {  	v4 =	vmul.f32 $9.999999740e-05, v3  }
0xf2: {  	[tilespmem:s19+$0x5000] =	vst v3  }
0xf3: {  	[tilespmem:s19+$0x7800] =	vst v4  }
0xf4: {  	v3 =	vld.idx.msk [tilespmem:v5+s17+$0x0], $0xffff  }
0xf5: {  	v4 =	vld.idx.msk [tilespmem:v6+s17+$0x0], $0xffff;
	_ =	sdelay $0x1  }
0xf6: {  	v5 =	vld [tilespmem:s19+$0x20]  }
0xf7: {  	v6 =	vld [tilespmem:s19+$0x2820];
	_ =	sdelay $0x1  }
0xf8: {  	v3 =	vmul.f32 v4, v3;
	_ =	sdelay $0x1  }
0xf9: {  	v4 =	vmul.f32 $9.999999740e-05, v3  }
0xfa: {  	[tilespmem:s19+$0x5010] =	vst v3  }
0xfb: {  	[tilespmem:s19+$0x7810] =	vst v4  }
0xfc: {  	v3 =	vld.idx.msk [tilespmem:v5+s17+$0x0], $0xffff  }
0xfd: {  	v4 =	vld.idx.msk [tilespmem:v6+s17+$0x0], $0xffff;
	_ =	sdelay $0x1  }
0xfe: {  	v5 =	vld [tilespmem:s19+$0x30]  }
0xff: {  	v6 =	vld [tilespmem:s19+$0x2830];
	_ =	sdelay $0x1  }
0x100: {  	v3 =	vmul.f32 v4, v3;
	_ =	sdelay $0x1  }
0x101: {  	v4 =	vmul.f32 $9.999999740e-05, v3  }
0x102: {  	[tilespmem:s19+$0x5020] =	vst v3  }
0x103: {  	[tilespmem:s19+$0x7820] =	vst v4  }
0x104: {  	v3 =	vld.idx.msk [tilespmem:v5+s17+$0x0], $0xffff  }
0x105: {  	v4 =	vld.idx.msk [tilespmem:v6+s17+$0x0], $0xffff;
	_ =	sdelay $0x1  }
0x106: {  	v5 =	vld [tilespmem:s19+$0x40]  }
0x107: {  	v6 =	vld [tilespmem:s19+$0x2840];
	_ =	sdelay $0x1  }
0x108: {  	v3 =	vmul.f32 v4, v3;
	_ =	sdelay $0x1  }
0x109: {  	v4 =	vmul.f32 $9.999999740e-05, v3  }
0x10a: {  	[tilespmem:s19+$0x5030] =	vst v3  }
0x10b: {  	[tilespmem:s19+$0x7830] =	vst v4  }
0x10c: {  	v3 =	vld.idx.msk [tilespmem:v5+s17+$0x0], $0xffff  }
0x10d: {  	v4 =	vld.idx.msk [tilespmem:v6+s17+$0x0], $0xffff;
	_ =	sdelay $0x1  }
0x10e: {  	v5 =	vld [tilespmem:s19+$0x50]  }
0x10f: {  	v6 =	vld [tilespmem:s19+$0x2850];
	_ =	sdelay $0x1  }
0x110: {  	v3 =	vmul.f32 v4, v3;
	_ =	sdelay $0x1  }
0x111: {  	v4 =	vmul.f32 $9.999999740e-05, v3  }
0x112: {  	[tilespmem:s19+$0x5040] =	vst v3  }
0x113: {  	[tilespmem:s19+$0x7840] =	vst v4  }
0x114: {  	v3 =	vld.idx.msk [tilespmem:v5+s17+$0x0], $0xffff  }
0x115: {  	v4 =	vld.idx.msk [tilespmem:v6+s17+$0x0], $0xffff;
	_ =	sdelay $0x1  }
0x116: {  	v5 =	vld [tilespmem:s19+$0x60]  }
0x117: {  	v6 =	vld [tilespmem:s19+$0x2860];
	_ =	sdelay $0x1  }
0x118: {  	v3 =	vmul.f32 v4, v3;
	_ =	sdelay $0x1  }
0x119: {  	v4 =	vmul.f32 $9.999999740e-05, v3  }
0x11a: {  	[tilespmem:s19+$0x5050] =	vst v3  }
0x11b: {  	[tilespmem:s19+$0x7850] =	vst v4  }
0x11c: {  	v3 =	vld.idx.msk [tilespmem:v5+s17+$0x0], $0xffff  }
0x11d: {  	v4 =	vld.idx.msk [tilespmem:v6+s17+$0x0], $0xffff;
	_ =	sdelay $0x1  }
0x11e: {  	v5 =	vld [tilespmem:s19+$0x70]  }
0x11f: {  	v6 =	vld [tilespmem:s19+$0x2870];
	_ =	sdelay $0x1  }
0x120: {  	v3 =	vmul.f32 v4, v3;
	_ =	sdelay $0x1  }
0x121: {  	v4 =	vmul.f32 $9.999999740e-05, v3  }
0x122: {  	[tilespmem:s19+$0x5060] =	vst v3  }
0x123: {  	[tilespmem:s19+$0x7860] =	vst v4  }
0x124: {  	v3 =	vld.idx.msk [tilespmem:v5+s17+$0x0], $0xffff  }
0x125: {  	v4 =	vld.idx.msk [tilespmem:v6+s17+$0x0], $0xffff  }
0x126: {  	s20 =	simm.s32 $0x200;
	s21 =	simm.s32 $0x7800  }
.LBB2_13:
0x127: {  	p2 =	sne.s32 s20, $0x9E00;
	s22 =	smov.u32 s20;
	s20 =	sadd.s32 $0x200, s20  }
0x128: {  	_ =	sdelay $0x1  }
0x129: {  	v3 =	vmul.f32 v4, v3;
	_ =	sdelay $0x1  }
0x12a: {  	[tilespmem:s19+$0x5070] =	vst v3;
	v3 =	vmul.f32 $9.999999740e-05, v3;
	_ =	sdelay $0x1  }
0x12b: {  	s22 =	sshra.s32 s22, $0x2;
	[tilespmem:s19+$0x7870] =	vst v3  }
0x12c: {  	[spmem:s3] =	stream.indirect.scatter.add.f32 [tilespmem:s21], [sflag:$0x1], $0x1, s19, s15, $0xb8;
	[tilespmem:$0xCF80] =	vst v63  }
0x12d: {  	s19 =	smov.u32 s22;
	v3 =	vld [tilespmem:s22+$0x0]  }
0x12e: {  	v4 =	vld [tilespmem:s19+$0x2800];
	_ =	sdelay $0x6  }
0x12f: {  	v3 =	vld.idx.msk [tilespmem:v3+s17+$0x0], $0xffff  }
0x130: {  	v4 =	vld.idx.msk [tilespmem:v4+s17+$0x0], $0xffff;
	_ =	sdelay $0x1  }
0x131: {  	v5 =	vld [tilespmem:s19+$0x2810]  }
0x132: {  	v6 =	vld [tilespmem:s19+$0x10];
	_ =	sdelay $0x2  }
0x133: {  	v3 =	vmul.f32 v4, v3;
	_ =	sdelay $0x1  }
0x134: {  	v4 =	vmul.f32 $9.999999740e-05, v3  }
0x135: {  	[tilespmem:s19+$0x5000] =	vst v3  }
0x136: {  	[tilespmem:s19+$0x7800] =	vst v4  }
0x137: {  	v3 =	vld.idx.msk [tilespmem:v6+s17+$0x0], $0xffff  }
0x138: {  	v4 =	vld.idx.msk [tilespmem:v5+s17+$0x0], $0xffff;
	_ =	sdelay $0x1  }
0x139: {  	v5 =	vld [tilespmem:s19+$0x2820]  }
0x13a: {  	v6 =	vld [tilespmem:s19+$0x20];
	_ =	sdelay $0x2  }
0x13b: {  	v3 =	vmul.f32 v4, v3;
	_ =	sdelay $0x1  }
0x13c: {  	[tilespmem:s19+$0x5010] =	vst v3;
	v3 =	vmul.f32 $9.999999740e-05, v3;
	_ =	sdelay $0x1  }
0x13d: {  	[tilespmem:s19+$0x7810] =	vst v3  }
0x13e: {  	v3 =	vld.idx.msk [tilespmem:v6+s17+$0x0], $0xffff  }
0x13f: {  	v4 =	vld.idx.msk [tilespmem:v5+s17+$0x0], $0xffff;
	_ =	sdelay $0x1  }
0x140: {  	v5 =	vld [tilespmem:s19+$0x2830]  }
0x141: {  	v6 =	vld [tilespmem:s19+$0x30];
	_ =	sdelay $0x2  }
0x142: {  	v3 =	vmul.f32 v4, v3;
	_ =	sdelay $0x1  }
0x143: {  	[tilespmem:s19+$0x5020] =	vst v3;
	v3 =	vmul.f32 $9.999999740e-05, v3;
	_ =	sdelay $0x1  }
0x144: {  	[tilespmem:s19+$0x7820] =	vst v3  }
0x145: {  	v3 =	vld.idx.msk [tilespmem:v6+s17+$0x0], $0xffff  }
0x146: {  	v4 =	vld.idx.msk [tilespmem:v5+s17+$0x0], $0xffff;
	_ =	sdelay $0x1  }
0x147: {  	v5 =	vld [tilespmem:s19+$0x2840]  }
0x148: {  	v6 =	vld [tilespmem:s19+$0x40];
	_ =	sdelay $0x2  }
0x149: {  	v3 =	vmul.f32 v4, v3;
	_ =	sdelay $0x1  }
0x14a: {  	[tilespmem:s19+$0x5030] =	vst v3;
	v3 =	vmul.f32 $9.999999740e-05, v3;
	_ =	sdelay $0x1  }
0x14b: {  	[tilespmem:s19+$0x7830] =	vst v3  }
0x14c: {  	v3 =	vld.idx.msk [tilespmem:v6+s17+$0x0], $0xffff  }
0x14d: {  	v4 =	vld.idx.msk [tilespmem:v5+s17+$0x0], $0xffff;
	_ =	sdelay $0x1  }
0x14e: {  	v5 =	vld [tilespmem:s19+$0x2850]  }
0x14f: {  	v6 =	vld [tilespmem:s19+$0x50];
	_ =	sdelay $0x2  }
0x150: {  	v3 =	vmul.f32 v4, v3;
	_ =	sdelay $0x1  }
0x151: {  	[tilespmem:s19+$0x5040] =	vst v3;
	v3 =	vmul.f32 $9.999999740e-05, v3;
	_ =	sdelay $0x1  }
0x152: {  	[tilespmem:s19+$0x7840] =	vst v3  }
0x153: {  	v3 =	vld.idx.msk [tilespmem:v6+s17+$0x0], $0xffff  }
0x154: {  	v4 =	vld.idx.msk [tilespmem:v5+s17+$0x0], $0xffff;
	_ =	sdelay $0x1  }
0x155: {  	v5 =	vld [tilespmem:s19+$0x2860]  }
0x156: {  	v6 =	vld [tilespmem:s19+$0x60];
	_ =	sdelay $0x2  }
0x157: {  	v3 =	vmul.f32 v4, v3;
	_ =	sdelay $0x1  }
0x158: {  	[tilespmem:s19+$0x5050] =	vst v3;
	v3 =	vmul.f32 $9.999999740e-05, v3;
	_ =	sdelay $0x1  }
0x159: {  	[tilespmem:s19+$0x7850] =	vst v3  }
0x15a: {  	v3 =	vld.idx.msk [tilespmem:v6+s17+$0x0], $0xffff  }
0x15b: {  	v4 =	vld.idx.msk [tilespmem:v5+s17+$0x0], $0xffff;
	_ =	sdelay $0x1  }
0x15c: {  	v5 =	vld [tilespmem:s19+$0x2870]  }
0x15d: {  	v6 =	vld [tilespmem:s19+$0x70];
	_ =	sdelay $0x2  }
0x15e: {  	v3 =	vmul.f32 v4, v3;
	_ =	sdelay $0x1  }
0x15f: {  	[tilespmem:s19+$0x5060] =	vst v3;
	v3 =	vmul.f32 $9.999999740e-05, v3;
	_ =	sdelay $0x1  }
.Ltmp9:
0x160: {  	[tilespmem:s19+$0x7860] =	vst v3;
	(pc) =	sbr.rel @p2 .LBB2_13-.Ltmp9, $3  }
0x161: {  	v3 =	vld.idx.msk [tilespmem:v6+s17+$0x0], $0xffff  }
0x162: {  	v4 =	vld.idx.msk [tilespmem:v5+s17+$0x0], $0xffff;
	_ =	sdelay $0x1  }
0x163: {  	s21 =	sadd.s32 $0x7800, s19  }
0x164: {  	_ =	sdelay $0x1  }
0x165: {  	v3 =	vmul.f32 v4, v3;
	_ =	sdelay $0x1  }
0x166: {  	v4 =	vmul.f32 $9.999999740e-05, v3  }
0x167: {  	[tilespmem:s19+$0x5070] =	vst v3  }
0x168: {  	[tilespmem:s19+$0x7870] =	vst v4  }
0x169: {  	[spmem:s3] =	stream.indirect.scatter.add.f32 [tilespmem:s21], [sflag:$0x1], $0x1, s19, s15, $0xb8;
	[tilespmem:$0xCF80] =	vst v63  }
0x16a: {  	_ =	swait.ge [sflag:s14], $0x2800  }
0x16b: {  	[sflag:s14] =	ssyncset.done $0x0  }
0x16c: {  	[sflag:s14] =	ssyncadd.s32 $0xFFFFD800  }
0x16d: {  	[bflag:$0x0] =	sbarrier.arrive $0xFFFF  }
0x16e: {  	[tilespmem:s17], [sflag:$0x2] =	stream.linear.gather [spmem:s3], $0x2800, $0x38;
	[tilespmem:$0xCF80] =	vst v63  }
0x16f: {  	_ =	swait.ge [sflag:s13], $0x2800  }
0x170: {  	[sflag:s13] =	ssyncset.done $0x0  }
0x171: {  	[sflag:s13] =	ssyncadd.s32 $0xFFFFD800  }
0x172: {  	[tilespmem:$0xC800] =	vst v1  }
0x173: {  	[tilespmem:$0xC810] =	vst v1  }
0x174: {  	[tilespmem:$0xC820] =	vst v1  }
0x175: {  	[tilespmem:$0xC830] =	vst v1  }
0x176: {  	[tilespmem:$0xC840] =	vst v1  }
0x177: {  	[tilespmem:$0xC850] =	vst v1  }
0x178: {  	[tilespmem:$0xC860] =	vst v1  }
0x179: {  	[tilespmem:$0xC870] =	vst v1  }
0x17a: {  	[tilespmem:$0xC880] =	vst v1  }
0x17b: {  	[tilespmem:$0xC890] =	vst v1  }
0x17c: {  	[tilespmem:$0xC8A0] =	vst v1  }
0x17d: {  	[tilespmem:$0xC8B0] =	vst v1  }
0x17e: {  	[tilespmem:$0xC8C0] =	vst v1  }
0x17f: {  	[tilespmem:$0xC8D0] =	vst v1  }
0x180: {  	[tilespmem:$0xC8E0] =	vst v1  }
0x181: {  	[tilespmem:$0xC8F0] =	vst v1  }
0x182: {  	[tilespmem:$0xC900] =	vst v1  }
0x183: {  	[tilespmem:$0xC910] =	vst v1  }
0x184: {  	[tilespmem:$0xC920] =	vst v1  }
0x185: {  	[tilespmem:$0xC930] =	vst v1  }
0x186: {  	[tilespmem:$0xC940] =	vst v1  }
0x187: {  	[tilespmem:$0xC950] =	vst v1  }
0x188: {  	[tilespmem:$0xC960] =	vst v1  }
0x189: {  	[tilespmem:$0xC970] =	vst v1  }
0x18a: {  	[tilespmem:$0xC980] =	vst v1  }
0x18b: {  	[tilespmem:$0xC990] =	vst v1  }
0x18c: {  	[tilespmem:$0xC9A0] =	vst v1  }
0x18d: {  	[tilespmem:$0xC9B0] =	vst v1  }
0x18e: {  	[tilespmem:$0xC9C0] =	vst v1  }
0x18f: {  	[tilespmem:$0xC9D0] =	vst v1  }
0x190: {  	[tilespmem:$0xC9E0] =	vst v1  }
0x191: {  	[tilespmem:$0xC9F0] =	vst v1  }
0x192: {  	[tilespmem:$0xCA00] =	vst v1  }
0x193: {  	[tilespmem:$0xCA10] =	vst v1  }
0x194: {  	[tilespmem:$0xCA20] =	vst v1  }
0x195: {  	[tilespmem:$0xCA30] =	vst v1  }
0x196: {  	[tilespmem:$0xCA40] =	vst v1  }
0x197: {  	[tilespmem:$0xCA50] =	vst v1  }
0x198: {  	[tilespmem:$0xCA60] =	vst v1  }
0x199: {  	[tilespmem:$0xCA70] =	vst v1  }
0x19a: {  	[spmem:s6] =	stream.linear.scatter [tilespmem:s12], [sflag:$0x2], $0x280, $0x38;
	[tilespmem:$0xCF80] =	vst v63  }
0x19b: {  	_ =	swait.ge [sflag:s13], $0x280  }
0x19c: {  	[sflag:s13] =	ssyncset.done $0x0  }
0x19d: {  	[sflag:s13] =	ssyncadd.s32 $0xFFFFFD80  }
0x19e: {  	s20 =	simm.s32 $0x0;
	[bflag:$0x0] =	sbarrier.arrive $0xFFFF  }
0x19f: {  	v3 =	vld [tilespmem:s20+$0x2800];
	_ =	sdelay $0x5  }
0x1a0: {  	v50 =	vld [tilespmem:s20+$0x2810]  }
0x1a1: {  	v5 =	vld [tilespmem:s20+$0x5000]  }
0x1a2: {  	v3 =	vld.idx.msk [tilespmem:v3+s17+$0x0], $0xffff;
	_ =	sdelay $0x4  }
0x1a3: {  	v3 =	vmul.f32 v5, v3  }
0x1a4: {  	v51 =	vld [tilespmem:s20+$0x5010]  }
0x1a5: {  	v52 =	vld [tilespmem:s20+$0x2820];
	[tilespmem:s20+$0x7800] =	vst v3  }
0x1a6: {  	v3 =	vld.idx.msk [tilespmem:v50+s17+$0x0], $0xffff;
	_ =	sdelay $0x4  }
0x1a7: {  	v3 =	vmul.f32 v51, v3  }
0x1a8: {  	v54 =	vld [tilespmem:s20+$0x5020]  }
0x1a9: {  	[tilespmem:s20+$0x7810] =	vst v3;
	v3 =	vld [tilespmem:s20+$0x2830]  }
0x1aa: {  	v53 =	vld.idx.msk [tilespmem:v52+s17+$0x0], $0xffff;
	_ =	sdelay $0x4  }
0x1ab: {  	v4 =	vmul.f32 v54, v53  }
0x1ac: {  	v55 =	vld [tilespmem:s20+$0x5030]  }
0x1ad: {  	v56 =	vld [tilespmem:s20+$0x2840];
	[tilespmem:s20+$0x7820] =	vst v4  }
0x1ae: {  	v3 =	vld.idx.msk [tilespmem:v3+s17+$0x0], $0xffff;
	_ =	sdelay $0x4  }
0x1af: {  	v3 =	vmul.f32 v55, v3  }
0x1b0: {  	v58 =	vld [tilespmem:s20+$0x5040]  }
0x1b1: {  	[tilespmem:s20+$0x7830] =	vst v3;
	v3 =	vld [tilespmem:s20+$0x2850]  }
0x1b2: {  	v57 =	vld.idx.msk [tilespmem:v56+s17+$0x0], $0xffff;
	_ =	sdelay $0x4  }
0x1b3: {  	v4 =	vmul.f32 v58, v57  }
0x1b4: {  	v59 =	vld [tilespmem:s20+$0x5050]  }
0x1b5: {  	v60 =	vld [tilespmem:s20+$0x2860];
	[tilespmem:s20+$0x7840] =	vst v4  }
0x1b6: {  	v3 =	vld.idx.msk [tilespmem:v3+s17+$0x0], $0xffff;
	_ =	sdelay $0x4  }
0x1b7: {  	v3 =	vmul.f32 v59, v3  }
0x1b8: {  	v62 =	vld [tilespmem:s20+$0x5060]  }
0x1b9: {  	[tilespmem:s20+$0x7850] =	vst v3;
	v3 =	vld [tilespmem:s20+$0x2870]  }
0x1ba: {  	v61 =	vld.idx.msk [tilespmem:v60+s17+$0x0], $0xffff;
	_ =	sdelay $0x4  }
0x1bb: {  	v4 =	vmul.f32 v62, v61;
	_ =	sdelay $0x1  }
0x1bc: {  	v63 =	vld [tilespmem:s20+$0x5070];
	[tilespmem:s20+$0x7860] =	vst v4  }
0x1bd: {  	v3 =	vld.idx.msk [tilespmem:v3+s17+$0x0], $0xffff;
	_ =	sdelay $0x4  }
0x1be: {  	v3 =	vmul.f32 v63, v3;
	_ =	sdelay $0x1  }
0x1bf: {  	s22 =	simm.s32 $0x7800;
	s19 =	simm.s32 $0x80;
	s21 =	simm.s32 $0x400;
	[tilespmem:s20+$0x7870] =	vst v3  }
.LBB2_15:
0x1c0: {  	[spmem:s2] =	stream.indirect.scatter.add.f32 [tilespmem:s22], [sflag:$0x1], $0x1, s20, s15, $0xb8;
	[tilespmem:$0xCF80] =	vst v63  }
0x1c1: {  	s22 =	sshra.s32 s21, $0x2;
	p2 =	sne.s32 s21, $0x9E00;
	s21 =	sadd.s32 $0x200, s21;
	v3 =	vld [tilespmem:s19+$0x2800]  }
0x1c2: {  	s20 =	smov.u32 s19;
	s19 =	smov.u32 s22;
	_ =	sdelay $0x5  }
0x1c3: {  	v4 =	vld [tilespmem:s20+$0x2810]  }
0x1c4: {  	v3 =	vld.idx.msk [tilespmem:v3+s17+$0x0], $0xffff  }
0x1c5: {  	v5 =	vld [tilespmem:s20+$0x5000];
	_ =	sdelay $0x4  }
0x1c6: {  	v3 =	vmul.f32 v5, v3;
	_ =	sdelay $0x1  }
0x1c7: {  	[tilespmem:s20+$0x7800] =	vst v3;
	v3 =	vld [tilespmem:s20+$0x2820]  }
0x1c8: {  	v4 =	vld.idx.msk [tilespmem:v4+s17+$0x0], $0xffff  }
0x1c9: {  	v5 =	vld [tilespmem:s20+$0x5010];
	_ =	sdelay $0x4  }
0x1ca: {  	v4 =	vmul.f32 v5, v4;
	_ =	sdelay $0x1  }
0x1cb: {  	[tilespmem:s20+$0x7810] =	vst v4;
	v4 =	vld [tilespmem:s20+$0x2830]  }
0x1cc: {  	v3 =	vld.idx.msk [tilespmem:v3+s17+$0x0], $0xffff  }
0x1cd: {  	v5 =	vld [tilespmem:s20+$0x5020];
	_ =	sdelay $0x4  }
0x1ce: {  	v3 =	vmul.f32 v5, v3;
	_ =	sdelay $0x1  }
0x1cf: {  	[tilespmem:s20+$0x7820] =	vst v3;
	v3 =	vld [tilespmem:s20+$0x2840]  }
0x1d0: {  	v4 =	vld.idx.msk [tilespmem:v4+s17+$0x0], $0xffff  }
0x1d1: {  	v5 =	vld [tilespmem:s20+$0x5030];
	_ =	sdelay $0x4  }
0x1d2: {  	v4 =	vmul.f32 v5, v4;
	_ =	sdelay $0x1  }
0x1d3: {  	[tilespmem:s20+$0x7830] =	vst v4;
	v4 =	vld [tilespmem:s20+$0x2850]  }
0x1d4: {  	v3 =	vld.idx.msk [tilespmem:v3+s17+$0x0], $0xffff  }
0x1d5: {  	v5 =	vld [tilespmem:s20+$0x5040];
	_ =	sdelay $0x4  }
0x1d6: {  	v3 =	vmul.f32 v5, v3;
	_ =	sdelay $0x1  }
0x1d7: {  	[tilespmem:s20+$0x7840] =	vst v3;
	v3 =	vld [tilespmem:s20+$0x2860]  }
0x1d8: {  	v4 =	vld.idx.msk [tilespmem:v4+s17+$0x0], $0xffff  }
0x1d9: {  	v5 =	vld [tilespmem:s20+$0x5050];
	_ =	sdelay $0x4  }
0x1da: {  	v4 =	vmul.f32 v5, v4;
	_ =	sdelay $0x1  }
0x1db: {  	[tilespmem:s20+$0x7850] =	vst v4;
	v4 =	vld [tilespmem:s20+$0x2870]  }
0x1dc: {  	v3 =	vld.idx.msk [tilespmem:v3+s17+$0x0], $0xffff  }
0x1dd: {  	v5 =	vld [tilespmem:s20+$0x5060];
	_ =	sdelay $0x4  }
0x1de: {  	v3 =	vmul.f32 v5, v3;
	_ =	sdelay $0x1  }
0x1df: {  	[tilespmem:s20+$0x7860] =	vst v3  }
0x1e0: {  	v3 =	vld.idx.msk [tilespmem:v4+s17+$0x0], $0xffff  }
0x1e1: {  	v4 =	vld [tilespmem:s20+$0x5070];
	_ =	sdelay $0x2  }
.Ltmp10:
0x1e2: {  	(pc) =	sbr.rel @p2 .LBB2_15-.Ltmp10, $3  }
0x1e3: {  	_ = 	snop  }
0x1e4: {  	v3 =	vmul.f32 v4, v3;
	_ =	sdelay $0x1  }
0x1e5: {  	s22 =	sadd.s32 $0x7800, s20;
	[tilespmem:s20+$0x7870] =	vst v3  }
0x1e6: {  	[spmem:s2] =	stream.indirect.scatter.add.f32 [tilespmem:s22], [sflag:$0x1], $0x1, s20, s15, $0xb8;
	[tilespmem:$0xCF80] =	vst v63  }
0x1e7: {  	v3 =	vld [tilespmem:s19+$0x2800];
	_ =	sdelay $0x5  }
0x1e8: {  	v4 =	vld [tilespmem:s19+$0x2810]  }
0x1e9: {  	v5 =	vld [tilespmem:s19+$0x5000]  }
0x1ea: {  	v3 =	vld.idx.msk [tilespmem:v3+s17+$0x0], $0xffff;
	_ =	sdelay $0x4  }
0x1eb: {  	v3 =	vmul.f32 v5, v3  }
0x1ec: {  	v36 =	vld [tilespmem:s19+$0x5010]  }
0x1ed: {  	v37 =	vld [tilespmem:s19+$0x2820];
	[tilespmem:s19+$0x7800] =	vst v3  }
0x1ee: {  	v3 =	vld.idx.msk [tilespmem:v4+s17+$0x0], $0xffff;
	_ =	sdelay $0x4  }
0x1ef: {  	v3 =	vmul.f32 v36, v3  }
0x1f0: {  	v39 =	vld [tilespmem:s19+$0x5020]  }
0x1f1: {  	[tilespmem:s19+$0x7810] =	vst v3;
	v3 =	vld [tilespmem:s19+$0x2830]  }
0x1f2: {  	v38 =	vld.idx.msk [tilespmem:v37+s17+$0x0], $0xffff;
	_ =	sdelay $0x4  }
0x1f3: {  	v4 =	vmul.f32 v39, v38  }
0x1f4: {  	v40 =	vld [tilespmem:s19+$0x5030]  }
0x1f5: {  	v41 =	vld [tilespmem:s19+$0x2840];
	[tilespmem:s19+$0x7820] =	vst v4  }
0x1f6: {  	v3 =	vld.idx.msk [tilespmem:v3+s17+$0x0], $0xffff;
	_ =	sdelay $0x4  }
0x1f7: {  	v3 =	vmul.f32 v40, v3  }
0x1f8: {  	v43 =	vld [tilespmem:s19+$0x5040]  }
0x1f9: {  	[tilespmem:s19+$0x7830] =	vst v3;
	v3 =	vld [tilespmem:s19+$0x2850]  }
0x1fa: {  	v42 =	vld.idx.msk [tilespmem:v41+s17+$0x0], $0xffff;
	_ =	sdelay $0x4  }
0x1fb: {  	v4 =	vmul.f32 v43, v42  }
0x1fc: {  	v44 =	vld [tilespmem:s19+$0x5050]  }
0x1fd: {  	v45 =	vld [tilespmem:s19+$0x2860];
	[tilespmem:s19+$0x7840] =	vst v4  }
0x1fe: {  	v3 =	vld.idx.msk [tilespmem:v3+s17+$0x0], $0xffff;
	_ =	sdelay $0x4  }
0x1ff: {  	v3 =	vmul.f32 v44, v3  }
0x200: {  	v47 =	vld [tilespmem:s19+$0x5060]  }
0x201: {  	[tilespmem:s19+$0x7850] =	vst v3;
	v3 =	vld [tilespmem:s19+$0x2870]  }
0x202: {  	v46 =	vld.idx.msk [tilespmem:v45+s17+$0x0], $0xffff;
	_ =	sdelay $0x4  }
0x203: {  	v4 =	vmul.f32 v47, v46;
	_ =	sdelay $0x1  }
0x204: {  	v48 =	vld [tilespmem:s19+$0x5070];
	[tilespmem:s19+$0x7860] =	vst v4  }
0x205: {  	v3 =	vld.idx.msk [tilespmem:v3+s17+$0x0], $0xffff;
	_ =	sdelay $0x4  }
0x206: {  	v3 =	vmul.f32 v48, v3;
	_ =	sdelay $0x1  }
0x207: {  	s31 =	sadd.s32 $0x7800, s19;
	[tilespmem:s19+$0x7870] =	vst v3  }
0x208: {  	[spmem:s2] =	stream.indirect.scatter.add.f32 [tilespmem:s31], [sflag:$0x1], $0x1, s19, s15, $0xb8;
	[tilespmem:$0xCF80] =	vst v63  }
0x209: {  	_ =	swait.ge [sflag:s14], $0x2800  }
0x20a: {  	[sflag:s14] =	ssyncset.done $0x0  }
0x20b: {  	[sflag:s14] =	ssyncadd.s32 $0xFFFFD800  }
0x20c: {  	[bflag:$0x0] =	sbarrier.arrive $0xFFFF  }
0x20d: {  	[tilespmem:s17], [sflag:$0x2] =	stream.linear.gather [spmem:s2], $0x2800, $0x38;
	[tilespmem:$0xCF80] =	vst v63  }
0x20e: {  	_ =	swait.ge [sflag:s13], $0x2800  }
0x20f: {  	[sflag:s13] =	ssyncset.done $0x0  }
0x210: {  	[sflag:s13] =	ssyncadd.s32 $0xFFFFD800  }
0x211: {  	[tilespmem:$0xC800] =	vst v1  }
0x212: {  	[tilespmem:$0xC810] =	vst v1  }
0x213: {  	[tilespmem:$0xC820] =	vst v1  }
0x214: {  	[tilespmem:$0xC830] =	vst v1  }
0x215: {  	[tilespmem:$0xC840] =	vst v1  }
0x216: {  	[tilespmem:$0xC850] =	vst v1  }
0x217: {  	[tilespmem:$0xC860] =	vst v1  }
0x218: {  	[tilespmem:$0xC870] =	vst v1  }
0x219: {  	[tilespmem:$0xC880] =	vst v1  }
0x21a: {  	[tilespmem:$0xC890] =	vst v1  }
0x21b: {  	[tilespmem:$0xC8A0] =	vst v1  }
0x21c: {  	[tilespmem:$0xC8B0] =	vst v1  }
0x21d: {  	[tilespmem:$0xC8C0] =	vst v1  }
0x21e: {  	[tilespmem:$0xC8D0] =	vst v1  }
0x21f: {  	[tilespmem:$0xC8E0] =	vst v1  }
0x220: {  	[tilespmem:$0xC8F0] =	vst v1  }
0x221: {  	[tilespmem:$0xC900] =	vst v1  }
0x222: {  	[tilespmem:$0xC910] =	vst v1  }
0x223: {  	[tilespmem:$0xC920] =	vst v1  }
0x224: {  	[tilespmem:$0xC930] =	vst v1  }
0x225: {  	[tilespmem:$0xC940] =	vst v1  }
0x226: {  	[tilespmem:$0xC950] =	vst v1  }
0x227: {  	[tilespmem:$0xC960] =	vst v1  }
0x228: {  	[tilespmem:$0xC970] =	vst v1  }
0x229: {  	[tilespmem:$0xC980] =	vst v1  }
0x22a: {  	[tilespmem:$0xC990] =	vst v1  }
0x22b: {  	[tilespmem:$0xC9A0] =	vst v1  }
0x22c: {  	[tilespmem:$0xC9B0] =	vst v1  }
0x22d: {  	[tilespmem:$0xC9C0] =	vst v1  }
0x22e: {  	[tilespmem:$0xC9D0] =	vst v1  }
0x22f: {  	[tilespmem:$0xC9E0] =	vst v1  }
0x230: {  	[tilespmem:$0xC9F0] =	vst v1  }
0x231: {  	[tilespmem:$0xCA00] =	vst v1  }
0x232: {  	[tilespmem:$0xCA10] =	vst v1  }
0x233: {  	[tilespmem:$0xCA20] =	vst v1  }
0x234: {  	[tilespmem:$0xCA30] =	vst v1  }
0x235: {  	[tilespmem:$0xCA40] =	vst v1  }
0x236: {  	[tilespmem:$0xCA50] =	vst v1  }
0x237: {  	[tilespmem:$0xCA60] =	vst v1  }
0x238: {  	[tilespmem:$0xCA70] =	vst v1  }
0x239: {  	[spmem:s7] =	stream.linear.scatter [tilespmem:s12], [sflag:$0x2], $0x280, $0x38;
	[tilespmem:$0xCF80] =	vst v63  }
0x23a: {  	_ =	swait.ge [sflag:s13], $0x280  }
0x23b: {  	[sflag:s13] =	ssyncset.done $0x0  }
0x23c: {  	[sflag:s13] =	ssyncadd.s32 $0xFFFFFD80  }
0x23d: {  	s20 =	simm.s32 $0x0;
	[bflag:$0x0] =	sbarrier.arrive $0xFFFF  }
0x23e: {  	v3 =	vld [tilespmem:s20+$0x2800];
	_ =	sdelay $0x5  }
0x23f: {  	v49 =	vld [tilespmem:s20+$0x2810]  }
0x240: {  	v50 =	vld [tilespmem:s20+$0x5000]  }
0x241: {  	v3 =	vld.idx.msk [tilespmem:v3+s17+$0x0], $0xffff;
	_ =	sdelay $0x4  }
0x242: {  	v3 =	vmul.f32 v50, v3  }
0x243: {  	v51 =	vld [tilespmem:s20+$0x5010]  }
0x244: {  	v52 =	vld [tilespmem:s20+$0x2820];
	[tilespmem:s20+$0x7800] =	vst v3  }
0x245: {  	v3 =	vld.idx.msk [tilespmem:v49+s17+$0x0], $0xffff;
	_ =	sdelay $0x4  }
0x246: {  	v3 =	vmul.f32 v51, v3  }
0x247: {  	v54 =	vld [tilespmem:s20+$0x5020]  }
0x248: {  	[tilespmem:s20+$0x7810] =	vst v3;
	v3 =	vld [tilespmem:s20+$0x2830]  }
0x249: {  	v53 =	vld.idx.msk [tilespmem:v52+s17+$0x0], $0xffff;
	_ =	sdelay $0x4  }
0x24a: {  	v4 =	vmul.f32 v54, v53  }
0x24b: {  	v55 =	vld [tilespmem:s20+$0x5030]  }
0x24c: {  	v56 =	vld [tilespmem:s20+$0x2840];
	[tilespmem:s20+$0x7820] =	vst v4  }
0x24d: {  	v3 =	vld.idx.msk [tilespmem:v3+s17+$0x0], $0xffff;
	_ =	sdelay $0x4  }
0x24e: {  	v3 =	vmul.f32 v55, v3  }
0x24f: {  	v58 =	vld [tilespmem:s20+$0x5040]  }
0x250: {  	[tilespmem:s20+$0x7830] =	vst v3;
	v3 =	vld [tilespmem:s20+$0x2850]  }
0x251: {  	v57 =	vld.idx.msk [tilespmem:v56+s17+$0x0], $0xffff;
	_ =	sdelay $0x4  }
0x252: {  	v4 =	vmul.f32 v58, v57  }
0x253: {  	v59 =	vld [tilespmem:s20+$0x5050]  }
0x254: {  	v60 =	vld [tilespmem:s20+$0x2860];
	[tilespmem:s20+$0x7840] =	vst v4  }
0x255: {  	v3 =	vld.idx.msk [tilespmem:v3+s17+$0x0], $0xffff;
	_ =	sdelay $0x4  }
0x256: {  	v3 =	vmul.f32 v59, v3  }
0x257: {  	v62 =	vld [tilespmem:s20+$0x5060]  }
0x258: {  	[tilespmem:s20+$0x7850] =	vst v3;
	v3 =	vld [tilespmem:s20+$0x2870]  }
0x259: {  	v61 =	vld.idx.msk [tilespmem:v60+s17+$0x0], $0xffff;
	_ =	sdelay $0x4  }
0x25a: {  	v4 =	vmul.f32 v62, v61;
	_ =	sdelay $0x1  }
0x25b: {  	v63 =	vld [tilespmem:s20+$0x5070];
	[tilespmem:s20+$0x7860] =	vst v4  }
0x25c: {  	v3 =	vld.idx.msk [tilespmem:v3+s17+$0x0], $0xffff;
	_ =	sdelay $0x4  }
0x25d: {  	v3 =	vmul.f32 v63, v3;
	_ =	sdelay $0x1  }
0x25e: {  	s21 =	simm.s32 $0x400;
	s22 =	simm.s32 $0x7800;
	s19 =	simm.s32 $0x80;
	[tilespmem:s20+$0x7870] =	vst v3  }
.LBB2_17:
0x25f: {  	[spmem:s3] =	stream.indirect.scatter.add.f32 [tilespmem:s22], [sflag:$0x1], $0x1, s20, s15, $0xb8;
	[tilespmem:$0xCF80] =	vst v63  }
0x260: {  	s22 =	sshra.s32 s21, $0x2;
	p2 =	sne.s32 s21, $0x9E00;
	s21 =	sadd.s32 $0x200, s21;
	v3 =	vld [tilespmem:s19+$0x2800]  }
0x261: {  	s20 =	smov.u32 s19;
	s19 =	smov.u32 s22;
	_ =	sdelay $0x5  }
0x262: {  	v4 =	vld [tilespmem:s20+$0x2810]  }
0x263: {  	v3 =	vld.idx.msk [tilespmem:v3+s17+$0x0], $0xffff  }
0x264: {  	v5 =	vld [tilespmem:s20+$0x5000];
	_ =	sdelay $0x4  }
0x265: {  	v3 =	vmul.f32 v5, v3;
	_ =	sdelay $0x1  }
0x266: {  	[tilespmem:s20+$0x7800] =	vst v3;
	v3 =	vld [tilespmem:s20+$0x2820]  }
0x267: {  	v4 =	vld.idx.msk [tilespmem:v4+s17+$0x0], $0xffff  }
0x268: {  	v5 =	vld [tilespmem:s20+$0x5010];
	_ =	sdelay $0x4  }
0x269: {  	v4 =	vmul.f32 v5, v4;
	_ =	sdelay $0x1  }
0x26a: {  	[tilespmem:s20+$0x7810] =	vst v4;
	v4 =	vld [tilespmem:s20+$0x2830]  }
0x26b: {  	v3 =	vld.idx.msk [tilespmem:v3+s17+$0x0], $0xffff  }
0x26c: {  	v5 =	vld [tilespmem:s20+$0x5020];
	_ =	sdelay $0x4  }
0x26d: {  	v3 =	vmul.f32 v5, v3;
	_ =	sdelay $0x1  }
0x26e: {  	[tilespmem:s20+$0x7820] =	vst v3;
	v3 =	vld [tilespmem:s20+$0x2840]  }
0x26f: {  	v4 =	vld.idx.msk [tilespmem:v4+s17+$0x0], $0xffff  }
0x270: {  	v5 =	vld [tilespmem:s20+$0x5030];
	_ =	sdelay $0x4  }
0x271: {  	v4 =	vmul.f32 v5, v4;
	_ =	sdelay $0x1  }
0x272: {  	[tilespmem:s20+$0x7830] =	vst v4;
	v4 =	vld [tilespmem:s20+$0x2850]  }
0x273: {  	v3 =	vld.idx.msk [tilespmem:v3+s17+$0x0], $0xffff  }
0x274: {  	v5 =	vld [tilespmem:s20+$0x5040];
	_ =	sdelay $0x4  }
0x275: {  	v3 =	vmul.f32 v5, v3;
	_ =	sdelay $0x1  }
0x276: {  	[tilespmem:s20+$0x7840] =	vst v3;
	v3 =	vld [tilespmem:s20+$0x2860]  }
0x277: {  	v4 =	vld.idx.msk [tilespmem:v4+s17+$0x0], $0xffff  }
0x278: {  	v5 =	vld [tilespmem:s20+$0x5050];
	_ =	sdelay $0x4  }
0x279: {  	v4 =	vmul.f32 v5, v4;
	_ =	sdelay $0x1  }
0x27a: {  	[tilespmem:s20+$0x7850] =	vst v4;
	v4 =	vld [tilespmem:s20+$0x2870]  }
0x27b: {  	v3 =	vld.idx.msk [tilespmem:v3+s17+$0x0], $0xffff  }
0x27c: {  	v5 =	vld [tilespmem:s20+$0x5060];
	_ =	sdelay $0x4  }
0x27d: {  	v3 =	vmul.f32 v5, v3;
	_ =	sdelay $0x1  }
0x27e: {  	[tilespmem:s20+$0x7860] =	vst v3  }
0x27f: {  	v3 =	vld.idx.msk [tilespmem:v4+s17+$0x0], $0xffff  }
0x280: {  	v4 =	vld [tilespmem:s20+$0x5070];
	_ =	sdelay $0x2  }
.Ltmp11:
0x281: {  	(pc) =	sbr.rel @p2 .LBB2_17-.Ltmp11, $3  }
0x282: {  	_ = 	snop  }
0x283: {  	v3 =	vmul.f32 v4, v3;
	_ =	sdelay $0x1  }
0x284: {  	s22 =	sadd.s32 $0x7800, s20;
	[tilespmem:s20+$0x7870] =	vst v3  }
0x285: {  	[spmem:s3] =	stream.indirect.scatter.add.f32 [tilespmem:s22], [sflag:$0x1], $0x1, s20, s15, $0xb8;
	[tilespmem:$0xCF80] =	vst v63  }
0x286: {  	v3 =	vld [tilespmem:s19+$0x2800];
	_ =	sdelay $0x5  }
0x287: {  	v4 =	vld [tilespmem:s19+$0x2810]  }
0x288: {  	v5 =	vld [tilespmem:s19+$0x5000]  }
0x289: {  	v3 =	vld.idx.msk [tilespmem:v3+s17+$0x0], $0xffff;
	_ =	sdelay $0x4  }
0x28a: {  	v3 =	vmul.f32 v5, v3  }
0x28b: {  	v36 =	vld [tilespmem:s19+$0x5010]  }
0x28c: {  	v37 =	vld [tilespmem:s19+$0x2820];
	[tilespmem:s19+$0x7800] =	vst v3  }
0x28d: {  	v3 =	vld.idx.msk [tilespmem:v4+s17+$0x0], $0xffff;
	_ =	sdelay $0x4  }
0x28e: {  	v3 =	vmul.f32 v36, v3  }
0x28f: {  	v39 =	vld [tilespmem:s19+$0x5020]  }
0x290: {  	[tilespmem:s19+$0x7810] =	vst v3;
	v3 =	vld [tilespmem:s19+$0x2830]  }
0x291: {  	v38 =	vld.idx.msk [tilespmem:v37+s17+$0x0], $0xffff;
	_ =	sdelay $0x4  }
0x292: {  	v4 =	vmul.f32 v39, v38  }
0x293: {  	v40 =	vld [tilespmem:s19+$0x5030]  }
0x294: {  	v41 =	vld [tilespmem:s19+$0x2840];
	[tilespmem:s19+$0x7820] =	vst v4  }
0x295: {  	v3 =	vld.idx.msk [tilespmem:v3+s17+$0x0], $0xffff;
	_ =	sdelay $0x4  }
0x296: {  	v3 =	vmul.f32 v40, v3  }
0x297: {  	v43 =	vld [tilespmem:s19+$0x5040]  }
0x298: {  	[tilespmem:s19+$0x7830] =	vst v3;
	v3 =	vld [tilespmem:s19+$0x2850]  }
0x299: {  	v42 =	vld.idx.msk [tilespmem:v41+s17+$0x0], $0xffff;
	_ =	sdelay $0x4  }
0x29a: {  	v4 =	vmul.f32 v43, v42  }
0x29b: {  	v44 =	vld [tilespmem:s19+$0x5050]  }
0x29c: {  	v45 =	vld [tilespmem:s19+$0x2860];
	[tilespmem:s19+$0x7840] =	vst v4  }
0x29d: {  	v3 =	vld.idx.msk [tilespmem:v3+s17+$0x0], $0xffff;
	_ =	sdelay $0x4  }
0x29e: {  	v3 =	vmul.f32 v44, v3  }
0x29f: {  	v47 =	vld [tilespmem:s19+$0x5060]  }
0x2a0: {  	[tilespmem:s19+$0x7850] =	vst v3;
	v3 =	vld [tilespmem:s19+$0x2870]  }
0x2a1: {  	v46 =	vld.idx.msk [tilespmem:v45+s17+$0x0], $0xffff;
	_ =	sdelay $0x4  }
0x2a2: {  	v4 =	vmul.f32 v47, v46;
	_ =	sdelay $0x1  }
0x2a3: {  	v48 =	vld [tilespmem:s19+$0x5070];
	[tilespmem:s19+$0x7860] =	vst v4  }
0x2a4: {  	v3 =	vld.idx.msk [tilespmem:v3+s17+$0x0], $0xffff;
	_ =	sdelay $0x4  }
0x2a5: {  	v3 =	vmul.f32 v48, v3;
	_ =	sdelay $0x1  }
0x2a6: {  	s31 =	sadd.s32 $0x7800, s19;
	[tilespmem:s19+$0x7870] =	vst v3  }
0x2a7: {  	[spmem:s3] =	stream.indirect.scatter.add.f32 [tilespmem:s31], [sflag:$0x1], $0x1, s19, s15, $0xb8;
	[tilespmem:$0xCF80] =	vst v63  }
0x2a8: {  	_ =	swait.ge [sflag:s14], $0x2800  }
0x2a9: {  	[sflag:s14] =	ssyncset.done $0x0  }
0x2aa: {  	[sflag:s14] =	ssyncadd.s32 $0xFFFFD800  }
0x2ab: {  	[bflag:$0x0] =	sbarrier.arrive $0xFFFF  }
0x2ac: {  	[tilespmem:s17], [sflag:$0x2] =	stream.linear.gather [spmem:s3], $0x2800, $0x38;
	[tilespmem:$0xCF80] =	vst v63  }
0x2ad: {  	_ =	swait.ge [sflag:s13], $0x2800  }
0x2ae: {  	[sflag:s13] =	ssyncset.done $0x0  }
0x2af: {  	[sflag:s13] =	ssyncadd.s32 $0xFFFFD800  }
0x2b0: {  	[tilespmem:$0xC800] =	vst v1  }
0x2b1: {  	[tilespmem:$0xC810] =	vst v1  }
0x2b2: {  	[tilespmem:$0xC820] =	vst v1  }
0x2b3: {  	[tilespmem:$0xC830] =	vst v1  }
0x2b4: {  	[tilespmem:$0xC840] =	vst v1  }
0x2b5: {  	[tilespmem:$0xC850] =	vst v1  }
0x2b6: {  	[tilespmem:$0xC860] =	vst v1  }
0x2b7: {  	[tilespmem:$0xC870] =	vst v1  }
0x2b8: {  	[tilespmem:$0xC880] =	vst v1  }
0x2b9: {  	[tilespmem:$0xC890] =	vst v1  }
0x2ba: {  	[tilespmem:$0xC8A0] =	vst v1  }
0x2bb: {  	[tilespmem:$0xC8B0] =	vst v1  }
0x2bc: {  	[tilespmem:$0xC8C0] =	vst v1  }
0x2bd: {  	[tilespmem:$0xC8D0] =	vst v1  }
0x2be: {  	[tilespmem:$0xC8E0] =	vst v1  }
0x2bf: {  	[tilespmem:$0xC8F0] =	vst v1  }
0x2c0: {  	[tilespmem:$0xC900] =	vst v1  }
0x2c1: {  	[tilespmem:$0xC910] =	vst v1  }
0x2c2: {  	[tilespmem:$0xC920] =	vst v1  }
0x2c3: {  	[tilespmem:$0xC930] =	vst v1  }
0x2c4: {  	[tilespmem:$0xC940] =	vst v1  }
0x2c5: {  	[tilespmem:$0xC950] =	vst v1  }
0x2c6: {  	[tilespmem:$0xC960] =	vst v1  }
0x2c7: {  	[tilespmem:$0xC970] =	vst v1  }
0x2c8: {  	[tilespmem:$0xC980] =	vst v1  }
0x2c9: {  	[tilespmem:$0xC990] =	vst v1  }
0x2ca: {  	[tilespmem:$0xC9A0] =	vst v1  }
0x2cb: {  	[tilespmem:$0xC9B0] =	vst v1  }
0x2cc: {  	[tilespmem:$0xC9C0] =	vst v1  }
0x2cd: {  	[tilespmem:$0xC9D0] =	vst v1  }
0x2ce: {  	[tilespmem:$0xC9E0] =	vst v1  }
0x2cf: {  	[tilespmem:$0xC9F0] =	vst v1  }
0x2d0: {  	[tilespmem:$0xCA00] =	vst v1  }
0x2d1: {  	[tilespmem:$0xCA10] =	vst v1  }
0x2d2: {  	[tilespmem:$0xCA20] =	vst v1  }
0x2d3: {  	[tilespmem:$0xCA30] =	vst v1  }
0x2d4: {  	[tilespmem:$0xCA40] =	vst v1  }
0x2d5: {  	[tilespmem:$0xCA50] =	vst v1  }
0x2d6: {  	[tilespmem:$0xCA60] =	vst v1  }
0x2d7: {  	[tilespmem:$0xCA70] =	vst v1  }
0x2d8: {  	[spmem:s6] =	stream.linear.scatter [tilespmem:s12], [sflag:$0x2], $0x280, $0x38;
	[tilespmem:$0xCF80] =	vst v63  }
0x2d9: {  	_ =	swait.ge [sflag:s13], $0x280  }
0x2da: {  	[sflag:s13] =	ssyncset.done $0x0  }
0x2db: {  	[sflag:s13] =	ssyncadd.s32 $0xFFFFFD80  }
0x2dc: {  	s20 =	simm.s32 $0x0;
	[bflag:$0x0] =	sbarrier.arrive $0xFFFF  }
0x2dd: {  	v3 =	vld [tilespmem:s20+$0x2800];
	_ =	sdelay $0x5  }
0x2de: {  	v49 =	vld [tilespmem:s20+$0x2810]  }
0x2df: {  	v50 =	vld [tilespmem:s20+$0x5000]  }
0x2e0: {  	v3 =	vld.idx.msk [tilespmem:v3+s17+$0x0], $0xffff;
	_ =	sdelay $0x4  }
0x2e1: {  	v3 =	vmul.f32 v50, v3  }
0x2e2: {  	v51 =	vld [tilespmem:s20+$0x5010]  }
0x2e3: {  	v52 =	vld [tilespmem:s20+$0x2820];
	[tilespmem:s20+$0x7800] =	vst v3  }
0x2e4: {  	v3 =	vld.idx.msk [tilespmem:v49+s17+$0x0], $0xffff;
	_ =	sdelay $0x4  }
0x2e5: {  	v3 =	vmul.f32 v51, v3  }
0x2e6: {  	v54 =	vld [tilespmem:s20+$0x5020]  }
0x2e7: {  	[tilespmem:s20+$0x7810] =	vst v3;
	v3 =	vld [tilespmem:s20+$0x2830]  }
0x2e8: {  	v53 =	vld.idx.msk [tilespmem:v52+s17+$0x0], $0xffff;
	_ =	sdelay $0x4  }
0x2e9: {  	v4 =	vmul.f32 v54, v53  }
0x2ea: {  	v55 =	vld [tilespmem:s20+$0x5030]  }
0x2eb: {  	v56 =	vld [tilespmem:s20+$0x2840];
	[tilespmem:s20+$0x7820] =	vst v4  }
0x2ec: {  	v3 =	vld.idx.msk [tilespmem:v3+s17+$0x0], $0xffff;
	_ =	sdelay $0x4  }
0x2ed: {  	v3 =	vmul.f32 v55, v3  }
0x2ee: {  	v58 =	vld [tilespmem:s20+$0x5040]  }
0x2ef: {  	[tilespmem:s20+$0x7830] =	vst v3;
	v3 =	vld [tilespmem:s20+$0x2850]  }
0x2f0: {  	v57 =	vld.idx.msk [tilespmem:v56+s17+$0x0], $0xffff;
	_ =	sdelay $0x4  }
0x2f1: {  	v4 =	vmul.f32 v58, v57  }
0x2f2: {  	v59 =	vld [tilespmem:s20+$0x5050]  }
0x2f3: {  	v60 =	vld [tilespmem:s20+$0x2860];
	[tilespmem:s20+$0x7840] =	vst v4  }
0x2f4: {  	v3 =	vld.idx.msk [tilespmem:v3+s17+$0x0], $0xffff;
	_ =	sdelay $0x4  }
0x2f5: {  	v3 =	vmul.f32 v59, v3  }
0x2f6: {  	v62 =	vld [tilespmem:s20+$0x5060]  }
0x2f7: {  	[tilespmem:s20+$0x7850] =	vst v3;
	v3 =	vld [tilespmem:s20+$0x2870]  }
0x2f8: {  	v61 =	vld.idx.msk [tilespmem:v60+s17+$0x0], $0xffff;
	_ =	sdelay $0x4  }
0x2f9: {  	v4 =	vmul.f32 v62, v61;
	_ =	sdelay $0x1  }
0x2fa: {  	v63 =	vld [tilespmem:s20+$0x5070];
	[tilespmem:s20+$0x7860] =	vst v4  }
0x2fb: {  	v3 =	vld.idx.msk [tilespmem:v3+s17+$0x0], $0xffff;
	_ =	sdelay $0x4  }
0x2fc: {  	v3 =	vmul.f32 v63, v3;
	_ =	sdelay $0x1  }
0x2fd: {  	s21 =	simm.s32 $0x400;
	s22 =	simm.s32 $0x7800;
	s19 =	simm.s32 $0x80;
	[tilespmem:s20+$0x7870] =	vst v3  }
.LBB2_19:
0x2fe: {  	[spmem:s2] =	stream.indirect.scatter.add.f32 [tilespmem:s22], [sflag:$0x1], $0x1, s20, s15, $0xb8;
	[tilespmem:$0xCF80] =	vst v63  }
0x2ff: {  	s22 =	sshra.s32 s21, $0x2;
	p2 =	sne.s32 s21, $0x9E00;
	s21 =	sadd.s32 $0x200, s21;
	v3 =	vld [tilespmem:s19+$0x2800]  }
0x300: {  	s20 =	smov.u32 s19;
	s19 =	smov.u32 s22;
	_ =	sdelay $0x5  }
0x301: {  	v4 =	vld [tilespmem:s20+$0x2810]  }
0x302: {  	v3 =	vld.idx.msk [tilespmem:v3+s17+$0x0], $0xffff  }
0x303: {  	v5 =	vld [tilespmem:s20+$0x5000];
	_ =	sdelay $0x4  }
0x304: {  	v3 =	vmul.f32 v5, v3;
	_ =	sdelay $0x1  }
0x305: {  	[tilespmem:s20+$0x7800] =	vst v3;
	v3 =	vld [tilespmem:s20+$0x2820]  }
0x306: {  	v4 =	vld.idx.msk [tilespmem:v4+s17+$0x0], $0xffff  }
0x307: {  	v5 =	vld [tilespmem:s20+$0x5010];
	_ =	sdelay $0x4  }
0x308: {  	v4 =	vmul.f32 v5, v4;
	_ =	sdelay $0x1  }
0x309: {  	[tilespmem:s20+$0x7810] =	vst v4;
	v4 =	vld [tilespmem:s20+$0x2830]  }
0x30a: {  	v3 =	vld.idx.msk [tilespmem:v3+s17+$0x0], $0xffff  }
0x30b: {  	v5 =	vld [tilespmem:s20+$0x5020];
	_ =	sdelay $0x4  }
0x30c: {  	v3 =	vmul.f32 v5, v3;
	_ =	sdelay $0x1  }
0x30d: {  	[tilespmem:s20+$0x7820] =	vst v3;
	v3 =	vld [tilespmem:s20+$0x2840]  }
0x30e: {  	v4 =	vld.idx.msk [tilespmem:v4+s17+$0x0], $0xffff  }
0x30f: {  	v5 =	vld [tilespmem:s20+$0x5030];
	_ =	sdelay $0x4  }
0x310: {  	v4 =	vmul.f32 v5, v4;
	_ =	sdelay $0x1  }
0x311: {  	[tilespmem:s20+$0x7830] =	vst v4;
	v4 =	vld [tilespmem:s20+$0x2850]  }
0x312: {  	v3 =	vld.idx.msk [tilespmem:v3+s17+$0x0], $0xffff  }
0x313: {  	v5 =	vld [tilespmem:s20+$0x5040];
	_ =	sdelay $0x4  }
0x314: {  	v3 =	vmul.f32 v5, v3;
	_ =	sdelay $0x1  }
0x315: {  	[tilespmem:s20+$0x7840] =	vst v3;
	v3 =	vld [tilespmem:s20+$0x2860]  }
0x316: {  	v4 =	vld.idx.msk [tilespmem:v4+s17+$0x0], $0xffff  }
0x317: {  	v5 =	vld [tilespmem:s20+$0x5050];
	_ =	sdelay $0x4  }
0x318: {  	v4 =	vmul.f32 v5, v4;
	_ =	sdelay $0x1  }
0x319: {  	[tilespmem:s20+$0x7850] =	vst v4;
	v4 =	vld [tilespmem:s20+$0x2870]  }
0x31a: {  	v3 =	vld.idx.msk [tilespmem:v3+s17+$0x0], $0xffff  }
0x31b: {  	v5 =	vld [tilespmem:s20+$0x5060];
	_ =	sdelay $0x4  }
0x31c: {  	v3 =	vmul.f32 v5, v3;
	_ =	sdelay $0x1  }
0x31d: {  	[tilespmem:s20+$0x7860] =	vst v3  }
0x31e: {  	v3 =	vld.idx.msk [tilespmem:v4+s17+$0x0], $0xffff  }
0x31f: {  	v4 =	vld [tilespmem:s20+$0x5070];
	_ =	sdelay $0x2  }
.Ltmp12:
0x320: {  	(pc) =	sbr.rel @p2 .LBB2_19-.Ltmp12, $3  }
0x321: {  	_ = 	snop  }
0x322: {  	v3 =	vmul.f32 v4, v3;
	_ =	sdelay $0x1  }
0x323: {  	s22 =	sadd.s32 $0x7800, s20;
	[tilespmem:s20+$0x7870] =	vst v3  }
0x324: {  	[spmem:s2] =	stream.indirect.scatter.add.f32 [tilespmem:s22], [sflag:$0x1], $0x1, s20, s15, $0xb8;
	[tilespmem:$0xCF80] =	vst v63  }
0x325: {  	v3 =	vld [tilespmem:s19+$0x2800];
	_ =	sdelay $0x5  }
0x326: {  	v4 =	vld [tilespmem:s19+$0x2810]  }
0x327: {  	v5 =	vld [tilespmem:s19+$0x5000]  }
0x328: {  	v3 =	vld.idx.msk [tilespmem:v3+s17+$0x0], $0xffff;
	_ =	sdelay $0x4  }
0x329: {  	v3 =	vmul.f32 v5, v3  }
0x32a: {  	v51 =	vld [tilespmem:s19+$0x5010]  }
0x32b: {  	v52 =	vld [tilespmem:s19+$0x2820];
	[tilespmem:s19+$0x7800] =	vst v3  }
0x32c: {  	v3 =	vld.idx.msk [tilespmem:v4+s17+$0x0], $0xffff;
	_ =	sdelay $0x4  }
0x32d: {  	v3 =	vmul.f32 v51, v3  }
0x32e: {  	v54 =	vld [tilespmem:s19+$0x5020]  }
0x32f: {  	[tilespmem:s19+$0x7810] =	vst v3;
	v3 =	vld [tilespmem:s19+$0x2830]  }
0x330: {  	v53 =	vld.idx.msk [tilespmem:v52+s17+$0x0], $0xffff;
	_ =	sdelay $0x4  }
0x331: {  	v4 =	vmul.f32 v54, v53  }
0x332: {  	v55 =	vld [tilespmem:s19+$0x5030]  }
0x333: {  	v56 =	vld [tilespmem:s19+$0x2840];
	[tilespmem:s19+$0x7820] =	vst v4  }
0x334: {  	v3 =	vld.idx.msk [tilespmem:v3+s17+$0x0], $0xffff;
	_ =	sdelay $0x4  }
0x335: {  	v3 =	vmul.f32 v55, v3  }
0x336: {  	v58 =	vld [tilespmem:s19+$0x5040]  }
0x337: {  	[tilespmem:s19+$0x7830] =	vst v3;
	v3 =	vld [tilespmem:s19+$0x2850]  }
0x338: {  	v57 =	vld.idx.msk [tilespmem:v56+s17+$0x0], $0xffff;
	_ =	sdelay $0x4  }
0x339: {  	v4 =	vmul.f32 v58, v57  }
0x33a: {  	v59 =	vld [tilespmem:s19+$0x5050]  }
0x33b: {  	v60 =	vld [tilespmem:s19+$0x2860];
	[tilespmem:s19+$0x7840] =	vst v4  }
0x33c: {  	v3 =	vld.idx.msk [tilespmem:v3+s17+$0x0], $0xffff;
	_ =	sdelay $0x4  }
0x33d: {  	v3 =	vmul.f32 v59, v3  }
0x33e: {  	v62 =	vld [tilespmem:s19+$0x5060]  }
0x33f: {  	[tilespmem:s19+$0x7850] =	vst v3;
	v3 =	vld [tilespmem:s19+$0x2870]  }
0x340: {  	v61 =	vld.idx.msk [tilespmem:v60+s17+$0x0], $0xffff;
	_ =	sdelay $0x4  }
0x341: {  	v4 =	vmul.f32 v62, v61;
	_ =	sdelay $0x1  }
0x342: {  	v63 =	vld [tilespmem:s19+$0x5070];
	[tilespmem:s19+$0x7860] =	vst v4  }
0x343: {  	v3 =	vld.idx.msk [tilespmem:v3+s17+$0x0], $0xffff;
	_ =	sdelay $0x4  }
0x344: {  	v3 =	vmul.f32 v63, v3;
	_ =	sdelay $0x1  }
0x345: {  	s31 =	sadd.s32 $0x7800, s19;
	[tilespmem:s19+$0x7870] =	vst v3  }
0x346: {  	[spmem:s2] =	stream.indirect.scatter.add.f32 [tilespmem:s31], [sflag:$0x1], $0x1, s19, s15, $0xb8;
	[tilespmem:$0xCF80] =	vst v63  }
0x347: {  	_ =	swait.ge [sflag:s14], $0x2800  }
0x348: {  	[sflag:s14] =	ssyncset.done $0x0  }
0x349: {  	[sflag:s14] =	ssyncadd.s32 $0xFFFFD800  }
0x34a: {  	[bflag:$0x0] =	sbarrier.arrive $0xFFFF  }
0x34b: {  	[tilespmem:s12], [sflag:$0x2] =	stream.linear.gather [spmem:s6], $0x280, $0x38;
	[tilespmem:$0xCF80] =	vst v63  }
0x34c: {  	_ =	swait.ge [sflag:s13], $0x280  }
0x34d: {  	s20 =	simm.s32 @!p1 $0xC800;
	s18 =	sadd.s32 $0x1, s18;
	[sflag:s13] =	ssyncset.done $0x0  }
0x34e: {  	p2 =	sne.s32 s18, s9;
	s19 =	simm.s32 @!p1 $0x0;
	[sflag:s13] =	ssyncadd.s32 $0xFFFFFD80  }
0x34f: {  	[hbm4b:s8+s19] =	stream.linear.scatter @!p1 [tilespmem:s20], [sflag:$0x2], $0x280, $0x38;
	[tilespmem:$0xCF80] =	vst v63  }
.Ltmp13:
0x350: {  	_ = 	snop;
	(pc) =	sbr.rel @p2 .LBB2_1-.Ltmp13, $4  }
0x351: {  	s19 =	simm.s32 @!p1 $0x2  }
0x352: {  	_ =	swait.ge @!p1 [sflag:s19], $0x280  }
0x353: {  	[sflag:s19] =	ssyncset.done @!p1 $0x0  }
0x354: {  	[sflag:s19] =	ssyncadd.s32 @!p1 $0xFFFFFD80  }
0x355: {  	_ =	sfence.sel $0x180000  }
0x356: {  	[bflag:$0x0] =	sbarrier.arrive $0xFFFF  }
0x357: {  	p0 =	sne.s32 s0, $0x0;
	_ =	strace $0x90000047  }
0x358: {  	s0 =	sadd.s32 @!p0 $0x100000, s1;
	[bflag:$0x2] =	sbarrier.arrive $0xFFFF  }
0x359: {  	[sflag:s0] =	ssyncadd.tile.s32 @!p0 $0x1;
	_ =	shalt  }
.Lfunc_end2:
_tile_overlayer_lowered:
.L_overlay_start_2:
0x35a: {  	(tag) =	ssettag $0x2  }
0x35b: {  	s0 =	rddreg [dreg:$0x0];
	s2 =	stileid.u32  }
0x35c: {  	s1 =	rddreg [dreg:$0x1];
	p0 =	sne.s32 s2, $0x0  }
0x35d: {  	s3 =	rddreg [dreg:$0x2];
	[bflag:$0x3] =	sbarrier.arrive $0xFFFF;
	s2 =	simm.s32 @!p0 $0x1C02  }
0x35e: {  	[timem:s3], [sflag:s2] =	dma.local @!p0 [hbm:s0], s1  }
0x35f: {  	s0 =	simm.s32 @!p0 $0x2  }
0x360: {  	_ =	swait.ge @!p0 [sflag:s0], s1  }
0x361: {  	s1 =	ssub.s32 @!p0 $0x0, s1;
	[sflag:s0] =	ssyncset.done @!p0 $0x0  }
0x362: {  	[sflag:s0] =	ssyncadd.s32 @!p0 s1  }
0x363: {  	[bflag:$0x3] =	sbarrier.arrive $0xFFFF  }
0x364: {  	_ =	shalt  }

</sc_bundles>
